<compile_context>
chip_gen: v7x
topology: tpu7x:2x2x1
jax: 0.10.2.dev20260603
libtpu: 0.0.44.dev20260713+nightly
codegen_flags: <defaults>
</compile_context>

<pallas_src>
import functools

import jax
import jax.numpy as jnp
from jax import lax
from jax.experimental import pallas as pl
from jax.experimental.pallas import tpu as pltpu
from jax.experimental.pallas import tpu_sc as plsc

_ROWS, _COLS = 16384, 128

_SC_ROWS = 8192
_TC_ROWS = _ROWS - _SC_ROWS


_BLOCK_ROWS = 2048
_TILE = 64
_NCHAIN = 4
_STRIDE = _TILE * _NCHAIN


def _bce_block(x, t):
    return jnp.maximum(x, 0.0) - x * t + jnp.log1p(jnp.exp(-jnp.abs(x)))


def _tc_kernel(preds_ref, targets_ref, out_ref, acc_ref):
    i = pl.program_id(0)

    def body(j, accs):
        base = j * _STRIDE
        new = []
        for c in range(_NCHAIN):
            x = preds_ref[pl.ds(base + c * _TILE, _TILE), :]
            t = targets_ref[pl.ds(base + c * _TILE, _TILE), :]
            new.append(accs[c] + _bce_block(x, t))
        return tuple(new)

    zeros = tuple(
        jnp.zeros((_TILE, _COLS), jnp.float32) for _ in range(_NCHAIN))
    accs = lax.fori_loop(0, _BLOCK_ROWS // _STRIDE, body, zeros)
    s = jnp.sum(sum(accs[1:], accs[0]))

    @pl.when(i == 0)
    def _init():
        acc_ref[0] = s

    @pl.when(i > 0)
    def _acc():
        acc_ref[0] += s

    @pl.when(i == pl.num_programs(0) - 1)
    def _fin():
        out_ref[0] = acc_ref[0]


def _tc_partial(preds, targets):
    grid = _TC_ROWS // _BLOCK_ROWS
    out = pl.pallas_call(
        _tc_kernel,
        grid=(grid,),
        in_specs=[
            pl.BlockSpec((_BLOCK_ROWS, _COLS), lambda i: (i, 0)),
            pl.BlockSpec((_BLOCK_ROWS, _COLS), lambda i: (i, 0)),
        ],
        out_specs=pl.BlockSpec(memory_space=pltpu.SMEM),
        out_shape=jax.ShapeDtypeStruct((1,), jnp.float32),
        scratch_shapes=[pltpu.SMEM((1,), jnp.float32)],
    )(preds, targets)
    return out[0]


_NW = 32
_SC_CHUNK = 256

_LOG1P_C = (1.92163718e-07, 9.99973120e-01, -4.99379939e-01, 3.27787496e-01,
            -2.24754522e-01, 1.33144468e-01, -5.41071155e-02, 1.04836725e-02)


def _log1p_poly(e):
    acc = jnp.full(e.shape, _LOG1P_C[7], jnp.float32)
    for k in range(6, -1, -1):
        acc = acc * e + jnp.float32(_LOG1P_C[k])
    return acc


def _sc_bce_block(x, t):
    e = jnp.exp(-jnp.abs(x))
    return jnp.maximum(x, 0.0) - x * t + _log1p_poly(e)


def _sc_partial(preds, targets):
    rows_w = _SC_ROWS // _NW
    nchunk = rows_w // _SC_CHUNK
    mesh = plsc.VectorSubcoreMesh(core_axis_name="c", subcore_axis_name="s")

    @functools.partial(
        pl.kernel, mesh=mesh,
        out_type=jax.ShapeDtypeStruct((_NW, 16), jnp.float32),
        scratch_types=[
            pltpu.VMEM((_SC_CHUNK, _COLS), jnp.float32),
            pltpu.VMEM((_SC_CHUNK, _COLS), jnp.float32),
            pltpu.VMEM((16,), jnp.float32),
        ],
    )
    def k(preds_hbm, targets_hbm, out_hbm, xbuf, tbuf, accbuf):
        wid = lax.axis_index("s") * 2 + lax.axis_index("c")

        def chunk_body(ci, acc):
            base = _TC_ROWS + wid * rows_w + ci * _SC_CHUNK
            pltpu.sync_copy(preds_hbm.at[pl.ds(base, _SC_CHUNK)], xbuf)
            pltpu.sync_copy(targets_hbm.at[pl.ds(base, _SC_CHUNK)], tbuf)

            def row_body(i, acc):
                for j in range(_COLS // 16):
                    x = xbuf[i, pl.ds(j * 16, 16)]
                    t = tbuf[i, pl.ds(j * 16, 16)]
                    acc = acc + _sc_bce_block(x, t)
                return acc

            return lax.fori_loop(0, _SC_CHUNK, row_body, acc)

        acc = lax.fori_loop(0, nchunk, chunk_body,
                            jnp.zeros((16,), jnp.float32))
        accbuf[...] = acc
        pltpu.sync_copy(accbuf, out_hbm.at[wid])

    return jnp.sum(k(preds, targets))


def kernel(preds, targets):
    parts = []
    if _TC_ROWS:
        parts.append(_tc_partial(preds, targets))
    if _SC_ROWS:
        parts.append(_sc_partial(preds, targets))
    return sum(parts) * (1.0 / (_ROWS * _COLS))

# --- scband reference (transcript-rebuilt; emitter-appended) ---
"""Pipeline reference for scband-seg-encode-loss-15960098471942 (READ-ONLY COPY).

The authoritative reference and input builder live on the scoring server;
editing this copy changes nothing except your own understanding.
"""

import jax, jax.numpy as jnp
import numpy as np


def setup_inputs(seed: int = 0) -> dict:
    key = jax.random.key(seed)
    k1, k2 = jax.random.split(key)
    preds = jax.random.normal(k1, (16384, 128), dtype=jnp.float32)
    targets = jax.random.uniform(k2, (16384, 128), dtype=jnp.float32)
    return {"preds": preds, "targets": targets}


def reference(preds, targets):
    # SegEncodeLoss forward, 2D-targets branch:
    #   return self.bce_loss(F.sigmoid(preds), targets)
    # nn.BCELoss(weight=None, size_average=True, reduce=True) -> mean reduction.
    # torch BCELoss clamps each log term at -100 for numerical stability.
    p = jax.nn.sigmoid(preds)
    log_p = jnp.clip(jnp.log(p), -100.0, None)
    log_1mp = jnp.clip(jnp.log1p(-p), -100.0, None)
    loss = -(targets * log_p + (1.0 - targets) * log_1mp)
    return jnp.mean(loss)

if __name__ == "__main__":
    import jax
    _d = setup_inputs()
    print(jax.jit(kernel)(*tuple(_d.values())))

</pallas_src>

<mosaic_0001>
#map = affine_map<(d0, d1) -> (0, 0)>
module attributes {stable_mosaic.version = 14 : i64} {
  func.func @k(%arg0: i32, %arg1: i32, %arg2: memref<16384x128xf32, #tpu.memory_space<hbm>>, %arg3: memref<16384x128xf32, #tpu.memory_space<hbm>>, %arg4: memref<32x16xf32, #tpu.memory_space<hbm>>, %arg5: memref<256x128xf32, #tpu.memory_space<vmem>>, %arg6: memref<256x128xf32, #tpu.memory_space<vmem>>, %arg7: memref<16xf32, #tpu.memory_space<vmem>>) attributes {dimension_semantics = [#tpu.dimension_semantics<core_parallel>, #tpu.dimension_semantics<subcore_parallel>], iteration_bounds = array<i64: 2, 16>, scalar_prefetch = 0 : i64, scratch_operands = 3 : i64, tpu.core_type = #tpu.core_type<sc_vector_subcore>, window_params = [{transform_indices = #map}, {transform_indices = #map}, {transform_indices = #map}]} {
    %mul3A = arith.constant 2 : i32
    %mul3A_0 = arith.muli %arg1, %mul3A : i32
    %add3A = arith.addi %mul3A_0, %arg0 : i32
    %broadcast_in_dim3A = arith.constant 0.000000e+00 : f32
    %broadcast_in_dim3A_1 = vector.broadcast %broadcast_in_dim3A : f32 to vector<16xf32>
    %scan3A = arith.constant 0 : i32
    %mul3A_2 = arith.constant 256 : i32
    %mul3A_3 = arith.muli %add3A, %mul3A_2 : i32
    %add3A_4 = arith.constant 8192 : i32
    %add3A_5 = arith.addi %add3A_4, %mul3A_3 : i32
    %mul3A_6 = arith.constant 256 : i32
    %mul3A_7 = arith.muli %scan3A, %mul3A_6 : i32
    %add3A_8 = arith.addi %add3A_5, %mul3A_7 : i32
    "tpu.region"() ({
      %run_scoped3A = tpu.sem_alloc : memref<!tpu.dma_semaphore, #tpu.memory_space<semaphore_mem>>
      %dma_start3A = arith.constant 0 : i32
      %dma_start3A_19 = tpu.memref_slice %arg2[%add3A_8, %dma_start3A] : memref<16384x128xf32, #tpu.memory_space<hbm>> -> memref<256x128xf32, #tpu.memory_space<hbm>>
      %dma_start3A_20 = arith.constant 0 : i32
      %dma_start3A_21 = tpu.memref_slice %arg2[%add3A_8, %dma_start3A_20] : memref<16384x128xf32, #tpu.memory_space<hbm>> -> memref<256x128xf32, #tpu.memory_space<hbm>>
      tpu.enqueue_dma source(%dma_start3A_21 : memref<256x128xf32, #tpu.memory_space<hbm>>) target(%arg5 : memref<256x128xf32, #tpu.memory_space<vmem>>) target_semaphore(%run_scoped3A : memref<!tpu.dma_semaphore, #tpu.memory_space<semaphore_mem>>)
      %dma_wait3A = arith.constant 0 : i32
      %dma_wait3A_22 = tpu.memref_slice %arg2[%add3A_8, %dma_wait3A] : memref<16384x128xf32, #tpu.memory_space<hbm>> -> memref<256x128xf32, #tpu.memory_space<hbm>>
      %dma_wait3A_23 = arith.constant 0 : i32
      %dma_wait3A_24 = tpu.memref_slice %arg2[%add3A_8, %dma_wait3A_23] : memref<16384x128xf32, #tpu.memory_space<hbm>> -> memref<256x128xf32, #tpu.memory_space<hbm>>
      tpu.wait_dma2 semaphore(%run_scoped3A : memref<!tpu.dma_semaphore, #tpu.memory_space<semaphore_mem>>) src(%dma_wait3A_24 : memref<256x128xf32, #tpu.memory_space<hbm>>) dst(%arg5 : memref<256x128xf32, #tpu.memory_space<vmem>>)
      tpu.yield
    }) : () -> ()
    "tpu.region"() ({
      %run_scoped3A = tpu.sem_alloc : memref<!tpu.dma_semaphore, #tpu.memory_space<semaphore_mem>>
      %dma_start3A = arith.constant 0 : i32
      %dma_start3A_19 = tpu.memref_slice %arg3[%add3A_8, %dma_start3A] : memref<16384x128xf32, #tpu.memory_space<hbm>> -> memref<256x128xf32, #tpu.memory_space<hbm>>
      %dma_start3A_20 = arith.constant 0 : i32
      %dma_start3A_21 = tpu.memref_slice %arg3[%add3A_8, %dma_start3A_20] : memref<16384x128xf32, #tpu.memory_space<hbm>> -> memref<256x128xf32, #tpu.memory_space<hbm>>
      tpu.enqueue_dma source(%dma_start3A_21 : memref<256x128xf32, #tpu.memory_space<hbm>>) target(%arg6 : memref<256x128xf32, #tpu.memory_space<vmem>>) target_semaphore(%run_scoped3A : memref<!tpu.dma_semaphore, #tpu.memory_space<semaphore_mem>>)
      %dma_wait3A = arith.constant 0 : i32
      %dma_wait3A_22 = tpu.memref_slice %arg3[%add3A_8, %dma_wait3A] : memref<16384x128xf32, #tpu.memory_space<hbm>> -> memref<256x128xf32, #tpu.memory_space<hbm>>
      %dma_wait3A_23 = arith.constant 0 : i32
      %dma_wait3A_24 = tpu.memref_slice %arg3[%add3A_8, %dma_wait3A_23] : memref<16384x128xf32, #tpu.memory_space<hbm>> -> memref<256x128xf32, #tpu.memory_space<hbm>>
      tpu.wait_dma2 semaphore(%run_scoped3A : memref<!tpu.dma_semaphore, #tpu.memory_space<semaphore_mem>>) src(%dma_wait3A_24 : memref<256x128xf32, #tpu.memory_space<hbm>>) dst(%arg6 : memref<256x128xf32, #tpu.memory_space<vmem>>)
      tpu.yield
    }) : () -> ()
    %scan3A_9 = arith.constant 0 : i32
    %scan3A_10 = arith.constant 256 : i32
    %scan3A_11 = arith.addi %scan3A_9, %scan3A_10 : i32
    %scan3A_12 = arith.constant 1 : i32
    %scan3A_13 = scf.for %scan3A_19 = %scan3A_9 to %scan3A_11 step %scan3A_12 iter_args(%scan3A_20 = %broadcast_in_dim3A_1) -> (vector<16xf32>)  : i32 {
      %get3A = arith.index_cast %scan3A_19 : i32 to index
      %get3A_21 = arith.constant 0 : index
      %get3A_22 = tpu.vector_load %arg5[%get3A, %get3A_21] {strides = array<i32>} : memref<256x128xf32, #tpu.memory_space<vmem>>, vector<1x16xf32>,
      %get3A_23 = vector.shape_cast %get3A_22 : vector<1x16xf32> to vector<16xf32>
      %get3A_24 = arith.index_cast %scan3A_19 : i32 to index
      %get3A_25 = arith.constant 0 : index
      %get3A_26 = tpu.vector_load %arg6[%get3A_24, %get3A_25] {strides = array<i32>} : memref<256x128xf32, #tpu.memory_space<vmem>>, vector<1x16xf32>,
      %get3A_27 = vector.shape_cast %get3A_26 : vector<1x16xf32> to vector<16xf32>
      %abs3A = math.absf %get3A_23 : vector<16xf32>
      %neg3A = arith.constant 0.000000e+00 : f32
      %neg3A_28 = vector.broadcast %neg3A : f32 to vector<16xf32>
      %neg3A_29 = arith.subf %neg3A_28, %abs3A : vector<16xf32>
      %exp3A = math.exp %neg3A_29 : vector<16xf32>
      %max3A = arith.constant 0.000000e+00 : f32
      %max3A_30 = vector.broadcast %max3A : f32 to vector<16xf32>
      %max3A_31 = arith.maximumf %get3A_23, %max3A_30 : vector<16xf32>
      %mul3A_32 = arith.mulf %get3A_23, %get3A_27 : vector<16xf32>
      %sub3A = arith.subf %max3A_31, %mul3A_32 : vector<16xf32>
      %broadcast_in_dim3A_33 = arith.constant 0.0104836728 : f32
      %broadcast_in_dim3A_34 = vector.broadcast %broadcast_in_dim3A_33 : f32 to vector<16xf32>
      %mul3A_35 = arith.mulf %broadcast_in_dim3A_34, %exp3A : vector<16xf32>
      %add3A_36 = arith.constant -0.0541071147 : f32
      %add3A_37 = vector.broadcast %add3A_36 : f32 to vector<16xf32>
      %add3A_38 = arith.addf %mul3A_35, %add3A_37 : vector<16xf32>
      %mul3A_39 = arith.mulf %add3A_38, %exp3A : vector<16xf32>
      %add3A_40 = arith.constant 0.133144468 : f32
      %add3A_41 = vector.broadcast %add3A_40 : f32 to vector<16xf32>
      %add3A_42 = arith.addf %mul3A_39, %add3A_41 : vector<16xf32>
      %mul3A_43 = arith.mulf %add3A_42, %exp3A : vector<16xf32>
      %add3A_44 = arith.constant -0.224754527 : f32
      %add3A_45 = vector.broadcast %add3A_44 : f32 to vector<16xf32>
      %add3A_46 = arith.addf %mul3A_43, %add3A_45 : vector<16xf32>
      %mul3A_47 = arith.mulf %add3A_46, %exp3A : vector<16xf32>
      %add3A_48 = arith.constant 0.327787489 : f32
      %add3A_49 = vector.broadcast %add3A_48 : f32 to vector<16xf32>
      %add3A_50 = arith.addf %mul3A_47, %add3A_49 : vector<16xf32>
      %mul3A_51 = arith.mulf %add3A_50, %exp3A : vector<16xf32>
      %add3A_52 = arith.constant -0.499379933 : f32
      %add3A_53 = vector.broadcast %add3A_52 : f32 to vector<16xf32>
      %add3A_54 = arith.addf %mul3A_51, %add3A_53 : vector<16xf32>
      %mul3A_55 = arith.mulf %add3A_54, %exp3A : vector<16xf32>
      %add3A_56 = arith.constant 0.999973118 : f32
      %add3A_57 = vector.broadcast %add3A_56 : f32 to vector<16xf32>
      %add3A_58 = arith.addf %mul3A_55, %add3A_57 : vector<16xf32>
      %mul3A_59 = arith.mulf %add3A_58, %exp3A : vector<16xf32>
      %add3A_60 = arith.constant 1.92163725E-7 : f32
      %add3A_61 = vector.broadcast %add3A_60 : f32 to vector<16xf32>
      %add3A_62 = arith.addf %mul3A_59, %add3A_61 : vector<16xf32>
      %add3A_63 = arith.addf %sub3A, %add3A_62 : vector<16xf32>
      %add3A_64 = arith.addf %scan3A_20, %add3A_63 : vector<16xf32>
      %get3A_65 = arith.index_cast %scan3A_19 : i32 to index
      %get3A_66 = arith.constant 16 : index
      %get3A_67 = tpu.vector_load %arg5[%get3A_65, %get3A_66] {strides = array<i32>} : memref<256x128xf32, #tpu.memory_space<vmem>>, vector<1x16xf32>,
      %get3A_68 = vector.shape_cast %get3A_67 : vector<1x16xf32> to vector<16xf32>
      %get3A_69 = arith.index_cast %scan3A_19 : i32 to index
      %get3A_70 = arith.constant 16 : index
      %get3A_71 = tpu.vector_load %arg6[%get3A_69, %get3A_70] {strides = array<i32>} : memref<256x128xf32, #tpu.memory_space<vmem>>, vector<1x16xf32>,
      %get3A_72 = vector.shape_cast %get3A_71 : vector<1x16xf32> to vector<16xf32>
      %abs3A_73 = math.absf %get3A_68 : vector<16xf32>
      %neg3A_74 = arith.constant 0.000000e+00 : f32
      %neg3A_75 = vector.broadcast %neg3A_74 : f32 to vector<16xf32>
      %neg3A_76 = arith.subf %neg3A_75, %abs3A_73 : vector<16xf32>
      %exp3A_77 = math.exp %neg3A_76 : vector<16xf32>
      %max3A_78 = arith.constant 0.000000e+00 : f32
      %max3A_79 = vector.broadcast %max3A_78 : f32 to vector<16xf32>
      %max3A_80 = arith.maximumf %get3A_68, %max3A_79 : vector<16xf32>
      %mul3A_81 = arith.mulf %get3A_68, %get3A_72 : vector<16xf32>
      %sub3A_82 = arith.subf %max3A_80, %mul3A_81 : vector<16xf32>
      %broadcast_in_dim3A_83 = arith.constant 0.0104836728 : f32
      %broadcast_in_dim3A_84 = vector.broadcast %broadcast_in_dim3A_83 : f32 to vector<16xf32>
      %mul3A_85 = arith.mulf %broadcast_in_dim3A_84, %exp3A_77 : vector<16xf32>
      %add3A_86 = arith.constant -0.0541071147 : f32
      %add3A_87 = vector.broadcast %add3A_86 : f32 to vector<16xf32>
      %add3A_88 = arith.addf %mul3A_85, %add3A_87 : vector<16xf32>
      %mul3A_89 = arith.mulf %add3A_88, %exp3A_77 : vector<16xf32>
      %add3A_90 = arith.constant 0.133144468 : f32
      %add3A_91 = vector.broadcast %add3A_90 : f32 to vector<16xf32>
      %add3A_92 = arith.addf %mul3A_89, %add3A_91 : vector<16xf32>
      %mul3A_93 = arith.mulf %add3A_92, %exp3A_77 : vector<16xf32>
      %add3A_94 = arith.constant -0.224754527 : f32
      %add3A_95 = vector.broadcast %add3A_94 : f32 to vector<16xf32>
      %add3A_96 = arith.addf %mul3A_93, %add3A_95 : vector<16xf32>
      %mul3A_97 = arith.mulf %add3A_96, %exp3A_77 : vector<16xf32>
      %add3A_98 = arith.constant 0.327787489 : f32
      %add3A_99 = vector.broadcast %add3A_98 : f32 to vector<16xf32>
      %add3A_100 = arith.addf %mul3A_97, %add3A_99 : vector<16xf32>
      %mul3A_101 = arith.mulf %add3A_100, %exp3A_77 : vector<16xf32>
      %add3A_102 = arith.constant -0.499379933 : f32
      %add3A_103 = vector.broadcast %add3A_102 : f32 to vector<16xf32>
      %add3A_104 = arith.addf %mul3A_101, %add3A_103 : vector<16xf32>
      %mul3A_105 = arith.mulf %add3A_104, %exp3A_77 : vector<16xf32>
      %add3A_106 = arith.constant 0.999973118 : f32
      %add3A_107 = vector.broadcast %add3A_106 : f32 to vector<16xf32>
      %add3A_108 = arith.addf %mul3A_105, %add3A_107 : vector<16xf32>
      %mul3A_109 = arith.mulf %add3A_108, %exp3A_77 : vector<16xf32>
      %add3A_110 = arith.constant 1.92163725E-7 : f32
      %add3A_111 = vector.broadcast %add3A_110 : f32 to vector<16xf32>
      %add3A_112 = arith.addf %mul3A_109, %add3A_111 : vector<16xf32>
      %add3A_113 = arith.addf %sub3A_82, %add3A_112 : vector<16xf32>
      %add3A_114 = arith.addf %add3A_64, %add3A_113 : vector<16xf32>
      %get3A_115 = arith.index_cast %scan3A_19 : i32 to index
      %get3A_116 = arith.constant 32 : index
      %get3A_117 = tpu.vector_load %arg5[%get3A_115, %get3A_116] {strides = array<i32>} : memref<256x128xf32, #tpu.memory_space<vmem>>, vector<1x16xf32>,
      %get3A_118 = vector.shape_cast %get3A_117 : vector<1x16xf32> to vector<16xf32>
      %get3A_119 = arith.index_cast %scan3A_19 : i32 to index
      %get3A_120 = arith.constant 32 : index
      %get3A_121 = tpu.vector_load %arg6[%get3A_119, %get3A_120] {strides = array<i32>} : memref<256x128xf32, #tpu.memory_space<vmem>>, vector<1x16xf32>,
      %get3A_122 = vector.shape_cast %get3A_121 : vector<1x16xf32> to vector<16xf32>
      %abs3A_123 = math.absf %get3A_118 : vector<16xf32>
      %neg3A_124 = arith.constant 0.000000e+00 : f32
      %neg3A_125 = vector.broadcast %neg3A_124 : f32 to vector<16xf32>
      %neg3A_126 = arith.subf %neg3A_125, %abs3A_123 : vector<16xf32>
      %exp3A_127 = math.exp %neg3A_126 : vector<16xf32>
      %max3A_128 = arith.constant 0.000000e+00 : f32
      %max3A_129 = vector.broadcast %max3A_128 : f32 to vector<16xf32>
      %max3A_130 = arith.maximumf %get3A_118, %max3A_129 : vector<16xf32>
      %mul3A_131 = arith.mulf %get3A_118, %get3A_122 : vector<16xf32>
      %sub3A_132 = arith.subf %max3A_130, %mul3A_131 : vector<16xf32>
      %broadcast_in_dim3A_133 = arith.constant 0.0104836728 : f32
      %broadcast_in_dim3A_134 = vector.broadcast %broadcast_in_dim3A_133 : f32 to vector<16xf32>
      %mul3A_135 = arith.mulf %broadcast_in_dim3A_134, %exp3A_127 : vector<16xf32>
      %add3A_136 = arith.constant -0.0541071147 : f32
      %add3A_137 = vector.broadcast %add3A_136 : f32 to vector<16xf32>
      %add3A_138 = arith.addf %mul3A_135, %add3A_137 : vector<16xf32>
      %mul3A_139 = arith.mulf %add3A_138, %exp3A_127 : vector<16xf32>
      %add3A_140 = arith.constant 0.133144468 : f32
      %add3A_141 = vector.broadcast %add3A_140 : f32 to vector<16xf32>
      %add3A_142 = arith.addf %mul3A_139, %add3A_141 : vector<16xf32>
      %mul3A_143 = arith.mulf %add3A_142, %exp3A_127 : vector<16xf32>
      %add3A_144 = arith.constant -0.224754527 : f32
      %add3A_145 = vector.broadcast %add3A_144 : f32 to vector<16xf32>
      %add3A_146 = arith.addf %mul3A_143, %add3A_145 : vector<16xf32>
      %mul3A_147 = arith.mulf %add3A_146, %exp3A_127 : vector<16xf32>
      %add3A_148 = arith.constant 0.327787489 : f32
      %add3A_149 = vector.broadcast %add3A_148 : f32 to vector<16xf32>
      %add3A_150 = arith.addf %mul3A_147, %add3A_149 : vector<16xf32>
      %mul3A_151 = arith.mulf %add3A_150, %exp3A_127 : vector<16xf32>
      %add3A_152 = arith.constant -0.499379933 : f32
      %add3A_153 = vector.broadcast %add3A_152 : f32 to vector<16xf32>
      %add3A_154 = arith.addf %mul3A_151, %add3A_153 : vector<16xf32>
      %mul3A_155 = arith.mulf %add3A_154, %exp3A_127 : vector<16xf32>
      %add3A_156 = arith.constant 0.999973118 : f32
      %add3A_157 = vector.broadcast %add3A_156 : f32 to vector<16xf32>
      %add3A_158 = arith.addf %mul3A_155, %add3A_157 : vector<16xf32>
      %mul3A_159 = arith.mulf %add3A_158, %exp3A_127 : vector<16xf32>
      %add3A_160 = arith.constant 1.92163725E-7 : f32
      %add3A_161 = vector.broadcast %add3A_160 : f32 to vector<16xf32>
      %add3A_162 = arith.addf %mul3A_159, %add3A_161 : vector<16xf32>
      %add3A_163 = arith.addf %sub3A_132, %add3A_162 : vector<16xf32>
      %add3A_164 = arith.addf %add3A_114, %add3A_163 : vector<16xf32>
      %get3A_165 = arith.index_cast %scan3A_19 : i32 to index
      %get3A_166 = arith.constant 48 : index
      %get3A_167 = tpu.vector_load %arg5[%get3A_165, %get3A_166] {strides = array<i32>} : memref<256x128xf32, #tpu.memory_space<vmem>>, vector<1x16xf32>,
      %get3A_168 = vector.shape_cast %get3A_167 : vector<1x16xf32> to vector<16xf32>
      %get3A_169 = arith.index_cast %scan3A_19 : i32 to index
      %get3A_170 = arith.constant 48 : index
      %get3A_171 = tpu.vector_load %arg6[%get3A_169, %get3A_170] {strides = array<i32>} : memref<256x128xf32, #tpu.memory_space<vmem>>, vector<1x16xf32>,
      %get3A_172 = vector.shape_cast %get3A_171 : vector<1x16xf32> to vector<16xf32>
      %abs3A_173 = math.absf %get3A_168 : vector<16xf32>
      %neg3A_174 = arith.constant 0.000000e+00 : f32
      %neg3A_175 = vector.broadcast %neg3A_174 : f32 to vector<16xf32>
      %neg3A_176 = arith.subf %neg3A_175, %abs3A_173 : vector<16xf32>
      %exp3A_177 = math.exp %neg3A_176 : vector<16xf32>
      %max3A_178 = arith.constant 0.000000e+00 : f32
      %max3A_179 = vector.broadcast %max3A_178 : f32 to vector<16xf32>
      %max3A_180 = arith.maximumf %get3A_168, %max3A_179 : vector<16xf32>
      %mul3A_181 = arith.mulf %get3A_168, %get3A_172 : vector<16xf32>
      %sub3A_182 = arith.subf %max3A_180, %mul3A_181 : vector<16xf32>
      %broadcast_in_dim3A_183 = arith.constant 0.0104836728 : f32
      %broadcast_in_dim3A_184 = vector.broadcast %broadcast_in_dim3A_183 : f32 to vector<16xf32>
      %mul3A_185 = arith.mulf %broadcast_in_dim3A_184, %exp3A_177 : vector<16xf32>
      %add3A_186 = arith.constant -0.0541071147 : f32
      %add3A_187 = vector.broadcast %add3A_186 : f32 to vector<16xf32>
      %add3A_188 = arith.addf %mul3A_185, %add3A_187 : vector<16xf32>
      %mul3A_189 = arith.mulf %add3A_188, %exp3A_177 : vector<16xf32>
      %add3A_190 = arith.constant 0.133144468 : f32
      %add3A_191 = vector.broadcast %add3A_190 : f32 to vector<16xf32>
      %add3A_192 = arith.addf %mul3A_189, %add3A_191 : vector<16xf32>
      %mul3A_193 = arith.mulf %add3A_192, %exp3A_177 : vector<16xf32>
      %add3A_194 = arith.constant -0.224754527 : f32
      %add3A_195 = vector.broadcast %add3A_194 : f32 to vector<16xf32>
      %add3A_196 = arith.addf %mul3A_193, %add3A_195 : vector<16xf32>
      %mul3A_197 = arith.mulf %add3A_196, %exp3A_177 : vector<16xf32>
      %add3A_198 = arith.constant 0.327787489 : f32
      %add3A_199 = vector.broadcast %add3A_198 : f32 to vector<16xf32>
      %add3A_200 = arith.addf %mul3A_197, %add3A_199 : vector<16xf32>
      %mul3A_201 = arith.mulf %add3A_200, %exp3A_177 : vector<16xf32>
      %add3A_202 = arith.constant -0.499379933 : f32
      %add3A_203 = vector.broadcast %add3A_202 : f32 to vector<16xf32>
      %add3A_204 = arith.addf %mul3A_201, %add3A_203 : vector<16xf32>
      %mul3A_205 = arith.mulf %add3A_204, %exp3A_177 : vector<16xf32>
      %add3A_206 = arith.constant 0.999973118 : f32
      %add3A_207 = vector.broadcast %add3A_206 : f32 to vector<16xf32>
      %add3A_208 = arith.addf %mul3A_205, %add3A_207 : vector<16xf32>
      %mul3A_209 = arith.mulf %add3A_208, %exp3A_177 : vector<16xf32>
      %add3A_210 = arith.constant 1.92163725E-7 : f32
      %add3A_211 = vector.broadcast %add3A_210 : f32 to vector<16xf32>
      %add3A_212 = arith.addf %mul3A_209, %add3A_211 : vector<16xf32>
      %add3A_213 = arith.addf %sub3A_182, %add3A_212 : vector<16xf32>
      %add3A_214 = arith.addf %add3A_164, %add3A_213 : vector<16xf32>
      %get3A_215 = arith.index_cast %scan3A_19 : i32 to index
      %get3A_216 = arith.constant 64 : index
      %get3A_217 = tpu.vector_load %arg5[%get3A_215, %get3A_216] {strides = array<i32>} : memref<256x128xf32, #tpu.memory_space<vmem>>, vector<1x16xf32>,
      %get3A_218 = vector.shape_cast %get3A_217 : vector<1x16xf32> to vector<16xf32>
      %get3A_219 = arith.index_cast %scan3A_19 : i32 to index
      %get3A_220 = arith.constant 64 : index
      %get3A_221 = tpu.vector_load %arg6[%get3A_219, %get3A_220] {strides = array<i32>} : memref<256x128xf32, #tpu.memory_space<vmem>>, vector<1x16xf32>,
      %get3A_222 = vector.shape_cast %get3A_221 : vector<1x16xf32> to vector<16xf32>
      %abs3A_223 = math.absf %get3A_218 : vector<16xf32>
      %neg3A_224 = arith.constant 0.000000e+00 : f32
      %neg3A_225 = vector.broadcast %neg3A_224 : f32 to vector<16xf32>
      %neg3A_226 = arith.subf %neg3A_225, %abs3A_223 : vector<16xf32>
      %exp3A_227 = math.exp %neg3A_226 : vector<16xf32>
      %max3A_228 = arith.constant 0.000000e+00 : f32
      %max3A_229 = vector.broadcast %max3A_228 : f32 to vector<16xf32>
      %max3A_230 = arith.maximumf %get3A_218, %max3A_229 : vector<16xf32>
      %mul3A_231 = arith.mulf %get3A_218, %get3A_222 : vector<16xf32>
      %sub3A_232 = arith.subf %max3A_230, %mul3A_231 : vector<16xf32>
      %broadcast_in_dim3A_233 = arith.constant 0.0104836728 : f32
      %broadcast_in_dim3A_234 = vector.broadcast %broadcast_in_dim3A_233 : f32 to vector<16xf32>
      %mul3A_235 = arith.mulf %broadcast_in_dim3A_234, %exp3A_227 : vector<16xf32>
      %add3A_236 = arith.constant -0.0541071147 : f32
      %add3A_237 = vector.broadcast %add3A_236 : f32 to vector<16xf32>
      %add3A_238 = arith.addf %mul3A_235, %add3A_237 : vector<16xf32>
      %mul3A_239 = arith.mulf %add3A_238, %exp3A_227 : vector<16xf32>
      %add3A_240 = arith.constant 0.133144468 : f32
      %add3A_241 = vector.broadcast %add3A_240 : f32 to vector<16xf32>
      %add3A_242 = arith.addf %mul3A_239, %add3A_241 : vector<16xf32>
      %mul3A_243 = arith.mulf %add3A_242, %exp3A_227 : vector<16xf32>
      %add3A_244 = arith.constant -0.224754527 : f32
      %add3A_245 = vector.broadcast %add3A_244 : f32 to vector<16xf32>
      %add3A_246 = arith.addf %mul3A_243, %add3A_245 : vector<16xf32>
      %mul3A_247 = arith.mulf %add3A_246, %exp3A_227 : vector<16xf32>
      %add3A_248 = arith.constant 0.327787489 : f32
      %add3A_249 = vector.broadcast %add3A_248 : f32 to vector<16xf32>
      %add3A_250 = arith.addf %mul3A_247, %add3A_249 : vector<16xf32>
      %mul3A_251 = arith.mulf %add3A_250, %exp3A_227 : vector<16xf32>
      %add3A_252 = arith.constant -0.499379933 : f32
      %add3A_253 = vector.broadcast %add3A_252 : f32 to vector<16xf32>
      %add3A_254 = arith.addf %mul3A_251, %add3A_253 : vector<16xf32>
      %mul3A_255 = arith.mulf %add3A_254, %exp3A_227 : vector<16xf32>
      %add3A_256 = arith.constant 0.999973118 : f32
      %add3A_257 = vector.broadcast %add3A_256 : f32 to vector<16xf32>
      %add3A_258 = arith.addf %mul3A_255, %add3A_257 : vector<16xf32>
      %mul3A_259 = arith.mulf %add3A_258, %exp3A_227 : vector<16xf32>
      %add3A_260 = arith.constant 1.92163725E-7 : f32
      %add3A_261 = vector.broadcast %add3A_260 : f32 to vector<16xf32>
      %add3A_262 = arith.addf %mul3A_259, %add3A_261 : vector<16xf32>
      %add3A_263 = arith.addf %sub3A_232, %add3A_262 : vector<16xf32>
      %add3A_264 = arith.addf %add3A_214, %add3A_263 : vector<16xf32>
      %get3A_265 = arith.index_cast %scan3A_19 : i32 to index
      %get3A_266 = arith.constant 80 : index
      %get3A_267 = tpu.vector_load %arg5[%get3A_265, %get3A_266] {strides = array<i32>} : memref<256x128xf32, #tpu.memory_space<vmem>>, vector<1x16xf32>,
      %get3A_268 = vector.shape_cast %get3A_267 : vector<1x16xf32> to vector<16xf32>
      %get3A_269 = arith.index_cast %scan3A_19 : i32 to index
      %get3A_270 = arith.constant 80 : index
      %get3A_271 = tpu.vector_load %arg6[%get3A_269, %get3A_270] {strides = array<i32>} : memref<256x128xf32, #tpu.memory_space<vmem>>, vector<1x16xf32>,
      %get3A_272 = vector.shape_cast %get3A_271 : vector<1x16xf32> to vector<16xf32>
      %abs3A_273 = math.absf %get3A_268 : vector<16xf32>
      %neg3A_274 = arith.constant 0.000000e+00 : f32
      %neg3A_275 = vector.broadcast %neg3A_274 : f32 to vector<16xf32>
      %neg3A_276 = arith.subf %neg3A_275, %abs3A_273 : vector<16xf32>
      %exp3A_277 = math.exp %neg3A_276 : vector<16xf32>
      %max3A_278 = arith.constant 0.000000e+00 : f32
      %max3A_279 = vector.broadcast %max3A_278 : f32 to vector<16xf32>
      %max3A_280 = arith.maximumf %get3A_268, %max3A_279 : vector<16xf32>
      %mul3A_281 = arith.mulf %get3A_268, %get3A_272 : vector<16xf32>
      %sub3A_282 = arith.subf %max3A_280, %mul3A_281 : vector<16xf32>
      %broadcast_in_dim3A_283 = arith.constant 0.0104836728 : f32
      %broadcast_in_dim3A_284 = vector.broadcast %broadcast_in_dim3A_283 : f32 to vector<16xf32>
      %mul3A_285 = arith.mulf %broadcast_in_dim3A_284, %exp3A_277 : vector<16xf32>
      %add3A_286 = arith.constant -0.0541071147 : f32
      %add3A_287 = vector.broadcast %add3A_286 : f32 to vector<16xf32>
      %add3A_288 = arith.addf %mul3A_285, %add3A_287 : vector<16xf32>
      %mul3A_289 = arith.mulf %add3A_288, %exp3A_277 : vector<16xf32>
      %add3A_290 = arith.constant 0.133144468 : f32
      %add3A_291 = vector.broadcast %add3A_290 : f32 to vector<16xf32>
      %add3A_292 = arith.addf %mul3A_289, %add3A_291 : vector<16xf32>
      %mul3A_293 = arith.mulf %add3A_292, %exp3A_277 : vector<16xf32>
      %add3A_294 = arith.constant -0.224754527 : f32
      %add3A_295 = vector.broadcast %add3A_294 : f32 to vector<16xf32>
      %add3A_296 = arith.addf %mul3A_293, %add3A_295 : vector<16xf32>
      %mul3A_297 = arith.mulf %add3A_296, %exp3A_277 : vector<16xf32>
      %add3A_298 = arith.constant 0.327787489 : f32
      %add3A_299 = vector.broadcast %add3A_298 : f32 to vector<16xf32>
      %add3A_300 = arith.addf %mul3A_297, %add3A_299 : vector<16xf32>
      %mul3A_301 = arith.mulf %add3A_300, %exp3A_277 : vector<16xf32>
      %add3A_302 = arith.constant -0.499379933 : f32
      %add3A_303 = vector.broadcast %add3A_302 : f32 to vector<16xf32>
      %add3A_304 = arith.addf %mul3A_301, %add3A_303 : vector<16xf32>
      %mul3A_305 = arith.mulf %add3A_304, %exp3A_277 : vector<16xf32>
      %add3A_306 = arith.constant 0.999973118 : f32
      %add3A_307 = vector.broadcast %add3A_306 : f32 to vector<16xf32>
      %add3A_308 = arith.addf %mul3A_305, %add3A_307 : vector<16xf32>
      %mul3A_309 = arith.mulf %add3A_308, %exp3A_277 : vector<16xf32>
      %add3A_310 = arith.constant 1.92163725E-7 : f32
      %add3A_311 = vector.broadcast %add3A_310 : f32 to vector<16xf32>
      %add3A_312 = arith.addf %mul3A_309, %add3A_311 : vector<16xf32>
      %add3A_313 = arith.addf %sub3A_282, %add3A_312 : vector<16xf32>
      %add3A_314 = arith.addf %add3A_264, %add3A_313 : vector<16xf32>
      %get3A_315 = arith.index_cast %scan3A_19 : i32 to index
      %get3A_316 = arith.constant 96 : index
      %get3A_317 = tpu.vector_load %arg5[%get3A_315, %get3A_316] {strides = array<i32>} : memref<256x128xf32, #tpu.memory_space<vmem>>, vector<1x16xf32>,
      %get3A_318 = vector.shape_cast %get3A_317 : vector<1x16xf32> to vector<16xf32>
      %get3A_319 = arith.index_cast %scan3A_19 : i32 to index
      %get3A_320 = arith.constant 96 : index
      %get3A_321 = tpu.vector_load %arg6[%get3A_319, %get3A_320] {strides = array<i32>} : memref<256x128xf32, #tpu.memory_space<vmem>>, vector<1x16xf32>,
      %get3A_322 = vector.shape_cast %get3A_321 : vector<1x16xf32> to vector<16xf32>
      %abs3A_323 = math.absf %get3A_318 : vector<16xf32>
      %neg3A_324 = arith.constant 0.000000e+00 : f32
      %neg3A_325 = vector.broadcast %neg3A_324 : f32 to vector<16xf32>
      %neg3A_326 = arith.subf %neg3A_325, %abs3A_323 : vector<16xf32>
      %exp3A_327 = math.exp %neg3A_326 : vector<16xf32>
      %max3A_328 = arith.constant 0.000000e+00 : f32
      %max3A_329 = vector.broadcast %max3A_328 : f32 to vector<16xf32>
      %max3A_330 = arith.maximumf %get3A_318, %max3A_329 : vector<16xf32>
      %mul3A_331 = arith.mulf %get3A_318, %get3A_322 : vector<16xf32>
      %sub3A_332 = arith.subf %max3A_330, %mul3A_331 : vector<16xf32>
      %broadcast_in_dim3A_333 = arith.constant 0.0104836728 : f32
      %broadcast_in_dim3A_334 = vector.broadcast %broadcast_in_dim3A_333 : f32 to vector<16xf32>
      %mul3A_335 = arith.mulf %broadcast_in_dim3A_334, %exp3A_327 : vector<16xf32>
      %add3A_336 = arith.constant -0.0541071147 : f32
      %add3A_337 = vector.broadcast %add3A_336 : f32 to vector<16xf32>
      %add3A_338 = arith.addf %mul3A_335, %add3A_337 : vector<16xf32>
      %mul3A_339 = arith.mulf %add3A_338, %exp3A_327 : vector<16xf32>
      %add3A_340 = arith.constant 0.133144468 : f32
      %add3A_341 = vector.broadcast %add3A_340 : f32 to vector<16xf32>
      %add3A_342 = arith.addf %mul3A_339, %add3A_341 : vector<16xf32>
      %mul3A_343 = arith.mulf %add3A_342, %exp3A_327 : vector<16xf32>
      %add3A_344 = arith.constant -0.224754527 : f32
      %add3A_345 = vector.broadcast %add3A_344 : f32 to vector<16xf32>
      %add3A_346 = arith.addf %mul3A_343, %add3A_345 : vector<16xf32>
      %mul3A_347 = arith.mulf %add3A_346, %exp3A_327 : vector<16xf32>
      %add3A_348 = arith.constant 0.327787489 : f32
      %add3A_349 = vector.broadcast %add3A_348 : f32 to vector<16xf32>
      %add3A_350 = arith.addf %mul3A_347, %add3A_349 : vector<16xf32>
      %mul3A_351 = arith.mulf %add3A_350, %exp3A_327 : vector<16xf32>
      %add3A_352 = arith.constant -0.499379933 : f32
      %add3A_353 = vector.broadcast %add3A_352 : f32 to vector<16xf32>
      %add3A_354 = arith.addf %mul3A_351, %add3A_353 : vector<16xf32>
      %mul3A_355 = arith.mulf %add3A_354, %exp3A_327 : vector<16xf32>
      %add3A_356 = arith.constant 0.999973118 : f32
      %add3A_357 = vector.broadcast %add3A_356 : f32 to vector<16xf32>
      %add3A_358 = arith.addf %mul3A_355, %add3A_357 : vector<16xf32>
      %mul3A_359 = arith.mulf %add3A_358, %exp3A_327 : vector<16xf32>
      %add3A_360 = arith.constant 1.92163725E-7 : f32
      %add3A_361 = vector.broadcast %add3A_360 : f32 to vector<16xf32>
      %add3A_362 = arith.addf %mul3A_359, %add3A_361 : vector<16xf32>
      %add3A_363 = arith.addf %sub3A_332, %add3A_362 : vector<16xf32>
      %add3A_364 = arith.addf %add3A_314, %add3A_363 : vector<16xf32>
      %get3A_365 = arith.index_cast %scan3A_19 : i32 to index
      %get3A_366 = arith.constant 112 : index
      %get3A_367 = tpu.vector_load %arg5[%get3A_365, %get3A_366] {strides = array<i32>} : memref<256x128xf32, #tpu.memory_space<vmem>>, vector<1x16xf32>,
      %get3A_368 = vector.shape_cast %get3A_367 : vector<1x16xf32> to vector<16xf32>
      %get3A_369 = arith.index_cast %scan3A_19 : i32 to index
      %get3A_370 = arith.constant 112 : index
      %get3A_371 = tpu.vector_load %arg6[%get3A_369, %get3A_370] {strides = array<i32>} : memref<256x128xf32, #tpu.memory_space<vmem>>, vector<1x16xf32>,
      %get3A_372 = vector.shape_cast %get3A_371 : vector<1x16xf32> to vector<16xf32>
      %abs3A_373 = math.absf %get3A_368 : vector<16xf32>
      %neg3A_374 = arith.constant 0.000000e+00 : f32
      %neg3A_375 = vector.broadcast %neg3A_374 : f32 to vector<16xf32>
      %neg3A_376 = arith.subf %neg3A_375, %abs3A_373 : vector<16xf32>
      %exp3A_377 = math.exp %neg3A_376 : vector<16xf32>
      %max3A_378 = arith.constant 0.000000e+00 : f32
      %max3A_379 = vector.broadcast %max3A_378 : f32 to vector<16xf32>
      %max3A_380 = arith.maximumf %get3A_368, %max3A_379 : vector<16xf32>
      %mul3A_381 = arith.mulf %get3A_368, %get3A_372 : vector<16xf32>
      %sub3A_382 = arith.subf %max3A_380, %mul3A_381 : vector<16xf32>
      %broadcast_in_dim3A_383 = arith.constant 0.0104836728 : f32
      %broadcast_in_dim3A_384 = vector.broadcast %broadcast_in_dim3A_383 : f32 to vector<16xf32>
      %mul3A_385 = arith.mulf %broadcast_in_dim3A_384, %exp3A_377 : vector<16xf32>
      %add3A_386 = arith.constant -0.0541071147 : f32
      %add3A_387 = vector.broadcast %add3A_386 : f32 to vector<16xf32>
      %add3A_388 = arith.addf %mul3A_385, %add3A_387 : vector<16xf32>
      %mul3A_389 = arith.mulf %add3A_388, %exp3A_377 : vector<16xf32>
      %add3A_390 = arith.constant 0.133144468 : f32
      %add3A_391 = vector.broadcast %add3A_390 : f32 to vector<16xf32>
      %add3A_392 = arith.addf %mul3A_389, %add3A_391 : vector<16xf32>
      %mul3A_393 = arith.mulf %add3A_392, %exp3A_377 : vector<16xf32>
      %add3A_394 = arith.constant -0.224754527 : f32
      %add3A_395 = vector.broadcast %add3A_394 : f32 to vector<16xf32>
      %add3A_396 = arith.addf %mul3A_393, %add3A_395 : vector<16xf32>
      %mul3A_397 = arith.mulf %add3A_396, %exp3A_377 : vector<16xf32>
      %add3A_398 = arith.constant 0.327787489 : f32
      %add3A_399 = vector.broadcast %add3A_398 : f32 to vector<16xf32>
      %add3A_400 = arith.addf %mul3A_397, %add3A_399 : vector<16xf32>
      %mul3A_401 = arith.mulf %add3A_400, %exp3A_377 : vector<16xf32>
      %add3A_402 = arith.constant -0.499379933 : f32
      %add3A_403 = vector.broadcast %add3A_402 : f32 to vector<16xf32>
      %add3A_404 = arith.addf %mul3A_401, %add3A_403 : vector<16xf32>
      %mul3A_405 = arith.mulf %add3A_404, %exp3A_377 : vector<16xf32>
      %add3A_406 = arith.constant 0.999973118 : f32
      %add3A_407 = vector.broadcast %add3A_406 : f32 to vector<16xf32>
      %add3A_408 = arith.addf %mul3A_405, %add3A_407 : vector<16xf32>
      %mul3A_409 = arith.mulf %add3A_408, %exp3A_377 : vector<16xf32>
      %add3A_410 = arith.constant 1.92163725E-7 : f32
      %add3A_411 = vector.broadcast %add3A_410 : f32 to vector<16xf32>
      %add3A_412 = arith.addf %mul3A_409, %add3A_411 : vector<16xf32>
      %add3A_413 = arith.addf %sub3A_382, %add3A_412 : vector<16xf32>
      %add3A_414 = arith.addf %add3A_364, %add3A_413 : vector<16xf32>
      scf.yield %add3A_414 : vector<16xf32>
    }
    %scan3A_14 = arith.constant 256 : i32
    %scan3A_15 = arith.constant 1 : i32
    %swap3A = arith.constant 0 : index
    %swap3A_16 = tpu.vector_load %arg7[%swap3A] {strides = array<i32>} : memref<16xf32, #tpu.memory_space<vmem>>, vector<16xf32>,
    %swap3A_17 = vector.shape_cast %swap3A_16 : vector<16xf32> to vector<16xf32>
    %swap3A_18 = vector.shape_cast %scan3A_13 : vector<16xf32> to vector<16xf32>
    tpu.vector_store %arg7[%swap3A], %swap3A_18 {strides = array<i32>} : memref<16xf32, #tpu.memory_space<vmem>>, vector<16xf32>,
    "tpu.region"() ({
      %run_scoped3A = tpu.sem_alloc : memref<!tpu.dma_semaphore, #tpu.memory_space<semaphore_mem>>
      %dma_start3A = arith.constant 0 : i32
      %dma_start3A_19 = tpu.memref_slice %arg4[%add3A, %dma_start3A] : memref<32x16xf32, #tpu.memory_space<hbm>> -> memref<1x16xf32, #tpu.memory_space<hbm>>
      %dma_start3A_20 = tpu.memref_squeeze %dma_start3A_19 : memref<1x16xf32, #tpu.memory_space<hbm>> -> memref<16xf32, #tpu.memory_space<hbm>>
      %dma_start3A_21 = arith.constant 0 : i32
      %dma_start3A_22 = tpu.memref_slice %arg4[%add3A, %dma_start3A_21] : memref<32x16xf32, #tpu.memory_space<hbm>> -> memref<1x16xf32, #tpu.memory_space<hbm>>
      %dma_start3A_23 = tpu.memref_squeeze %dma_start3A_22 : memref<1x16xf32, #tpu.memory_space<hbm>> -> memref<16xf32, #tpu.memory_space<hbm>>
      tpu.enqueue_dma source(%arg7 : memref<16xf32, #tpu.memory_space<vmem>>) target(%dma_start3A_23 : memref<16xf32, #tpu.memory_space<hbm>>) target_semaphore(%run_scoped3A : memref<!tpu.dma_semaphore, #tpu.memory_space<semaphore_mem>>)
      %dma_wait3A = arith.constant 0 : i32
      %dma_wait3A_24 = tpu.memref_slice %arg4[%add3A, %dma_wait3A] : memref<32x16xf32, #tpu.memory_space<hbm>> -> memref<1x16xf32, #tpu.memory_space<hbm>>
      %dma_wait3A_25 = tpu.memref_squeeze %dma_wait3A_24 : memref<1x16xf32, #tpu.memory_space<hbm>> -> memref<16xf32, #tpu.memory_space<hbm>>
      %dma_wait3A_26 = arith.constant 0 : i32
      %dma_wait3A_27 = tpu.memref_slice %arg4[%add3A, %dma_wait3A_26] : memref<32x16xf32, #tpu.memory_space<hbm>> -> memref<1x16xf32, #tpu.memory_space<hbm>>
      %dma_wait3A_28 = tpu.memref_squeeze %dma_wait3A_27 : memref<1x16xf32, #tpu.memory_space<hbm>> -> memref<16xf32, #tpu.memory_space<hbm>>
      tpu.wait_dma2 semaphore(%run_scoped3A : memref<!tpu.dma_semaphore, #tpu.memory_space<semaphore_mem>>) src(%arg7 : memref<16xf32, #tpu.memory_space<vmem>>) dst(%dma_wait3A_28 : memref<16xf32, #tpu.memory_space<hbm>>)
      tpu.yield
    }) : () -> ()
    return
  }
}

module attributes {stable_mosaic.version = 14 : i64} {
  func.func @_tc_kernel(%arg0: i32, %arg1: memref<2048x128xf32, #tpu.memory_space<vmem>>, %arg2: memref<2048x128xf32, #tpu.memory_space<vmem>>, %arg3: memref<1xf32, #tpu.memory_space<smem>>, %arg4: memref<1xf32, #tpu.memory_space<smem>>) attributes {dimension_semantics = [#tpu.dimension_semantics<arbitrary>], iteration_bounds = array<i64: 4>, scalar_prefetch = 0 : i64, scratch_operands = 1 : i64, tpu.core_type = #tpu.core_type<tc>, window_params = [{transform_indices = @transform_0, window_bounds = array<i64: 2048, 128>}, {transform_indices = @transform_1, window_bounds = array<i64: 2048, 128>}, {transform_indices = @transform_2, window_bounds = array<i64: 1>}]} {
    %broadcast_in_dim3A = arith.constant 0.000000e+00 : f32
    %broadcast_in_dim3A_0 = vector.broadcast %broadcast_in_dim3A : f32 to vector<64x128xf32>
    %broadcast_in_dim3A_1 = arith.constant 0.000000e+00 : f32
    %broadcast_in_dim3A_2 = vector.broadcast %broadcast_in_dim3A_1 : f32 to vector<64x128xf32>
    %broadcast_in_dim3A_3 = arith.constant 0.000000e+00 : f32
    %broadcast_in_dim3A_4 = vector.broadcast %broadcast_in_dim3A_3 : f32 to vector<64x128xf32>
    %broadcast_in_dim3A_5 = arith.constant 0.000000e+00 : f32
    %broadcast_in_dim3A_6 = vector.broadcast %broadcast_in_dim3A_5 : f32 to vector<64x128xf32>
    %scan3A = arith.constant 0 : i32
    %scan3A_7 = arith.constant 8 : i32
    %scan3A_8 = arith.addi %scan3A, %scan3A_7 : i32
    %scan3A_9 = arith.constant 1 : i32
    %scan3A_10:4 = scf.for %scan3A_29 = %scan3A to %scan3A_8 step %scan3A_9 iter_args(%scan3A_30 = %broadcast_in_dim3A_0, %scan3A_31 = %broadcast_in_dim3A_2, %scan3A_32 = %broadcast_in_dim3A_4, %scan3A_33 = %broadcast_in_dim3A_6) -> (vector<64x128xf32>, vector<64x128xf32>, vector<64x128xf32>, vector<64x128xf32>)  : i32 {
      %mul3A = arith.constant 256 : i32
      %mul3A_34 = arith.muli %scan3A_29, %mul3A : i32
      %add3A_35 = arith.constant 0 : i32
      %add3A_36 = arith.addi %mul3A_34, %add3A_35 : i32
      %get3A = arith.index_cast %add3A_36 : i32 to index
      %get3A_37 = arith.constant 0 : index
      %get3A_38 = vector.load %arg1[%get3A, %get3A_37] : memref<2048x128xf32, #tpu.memory_space<vmem>>, vector<64x128xf32>
      %add3A_39 = arith.constant 0 : i32
      %add3A_40 = arith.addi %mul3A_34, %add3A_39 : i32
      %get3A_41 = arith.index_cast %add3A_40 : i32 to index
      %get3A_42 = arith.constant 0 : index
      %get3A_43 = vector.load %arg2[%get3A_41, %get3A_42] : memref<2048x128xf32, #tpu.memory_space<vmem>>, vector<64x128xf32>
      %max3A = arith.constant 0.000000e+00 : f32
      %max3A_44 = vector.broadcast %max3A : f32 to vector<64x128xf32>
      %max3A_45 = arith.maximumf %get3A_38, %max3A_44 : vector<64x128xf32>
      %mul3A_46 = arith.mulf %get3A_38, %get3A_43 : vector<64x128xf32>
      %sub3A = arith.subf %max3A_45, %mul3A_46 : vector<64x128xf32>
      %abs3A = math.absf %get3A_38 : vector<64x128xf32>
      %neg3A = arith.constant 0.000000e+00 : f32
      %neg3A_47 = vector.broadcast %neg3A : f32 to vector<64x128xf32>
      %neg3A_48 = arith.subf %neg3A_47, %abs3A : vector<64x128xf32>
      %exp3A = math.exp %neg3A_48 : vector<64x128xf32>
      %log1p3A = math.log1p %exp3A : vector<64x128xf32>
      %add3A_49 = arith.addf %sub3A, %log1p3A : vector<64x128xf32>
      %add3A_50 = arith.addf %scan3A_30, %add3A_49 : vector<64x128xf32>
      %add3A_51 = arith.constant 64 : i32
      %add3A_52 = arith.addi %mul3A_34, %add3A_51 : i32
      %get3A_53 = arith.index_cast %add3A_52 : i32 to index
      %get3A_54 = arith.constant 0 : index
      %get3A_55 = vector.load %arg1[%get3A_53, %get3A_54] : memref<2048x128xf32, #tpu.memory_space<vmem>>, vector<64x128xf32>
      %add3A_56 = arith.constant 64 : i32
      %add3A_57 = arith.addi %mul3A_34, %add3A_56 : i32
      %get3A_58 = arith.index_cast %add3A_57 : i32 to index
      %get3A_59 = arith.constant 0 : index
      %get3A_60 = vector.load %arg2[%get3A_58, %get3A_59] : memref<2048x128xf32, #tpu.memory_space<vmem>>, vector<64x128xf32>
      %max3A_61 = arith.constant 0.000000e+00 : f32
      %max3A_62 = vector.broadcast %max3A_61 : f32 to vector<64x128xf32>
      %max3A_63 = arith.maximumf %get3A_55, %max3A_62 : vector<64x128xf32>
      %mul3A_64 = arith.mulf %get3A_55, %get3A_60 : vector<64x128xf32>
      %sub3A_65 = arith.subf %max3A_63, %mul3A_64 : vector<64x128xf32>
      %abs3A_66 = math.absf %get3A_55 : vector<64x128xf32>
      %neg3A_67 = arith.constant 0.000000e+00 : f32
      %neg3A_68 = vector.broadcast %neg3A_67 : f32 to vector<64x128xf32>
      %neg3A_69 = arith.subf %neg3A_68, %abs3A_66 : vector<64x128xf32>
      %exp3A_70 = math.exp %neg3A_69 : vector<64x128xf32>
      %log1p3A_71 = math.log1p %exp3A_70 : vector<64x128xf32>
      %add3A_72 = arith.addf %sub3A_65, %log1p3A_71 : vector<64x128xf32>
      %add3A_73 = arith.addf %scan3A_31, %add3A_72 : vector<64x128xf32>
      %add3A_74 = arith.constant 128 : i32
      %add3A_75 = arith.addi %mul3A_34, %add3A_74 : i32
      %get3A_76 = arith.index_cast %add3A_75 : i32 to index
      %get3A_77 = arith.constant 0 : index
      %get3A_78 = vector.load %arg1[%get3A_76, %get3A_77] : memref<2048x128xf32, #tpu.memory_space<vmem>>, vector<64x128xf32>
      %add3A_79 = arith.constant 128 : i32
      %add3A_80 = arith.addi %mul3A_34, %add3A_79 : i32
      %get3A_81 = arith.index_cast %add3A_80 : i32 to index
      %get3A_82 = arith.constant 0 : index
      %get3A_83 = vector.load %arg2[%get3A_81, %get3A_82] : memref<2048x128xf32, #tpu.memory_space<vmem>>, vector<64x128xf32>
      %max3A_84 = arith.constant 0.000000e+00 : f32
      %max3A_85 = vector.broadcast %max3A_84 : f32 to vector<64x128xf32>
      %max3A_86 = arith.maximumf %get3A_78, %max3A_85 : vector<64x128xf32>
      %mul3A_87 = arith.mulf %get3A_78, %get3A_83 : vector<64x128xf32>
      %sub3A_88 = arith.subf %max3A_86, %mul3A_87 : vector<64x128xf32>
      %abs3A_89 = math.absf %get3A_78 : vector<64x128xf32>
      %neg3A_90 = arith.constant 0.000000e+00 : f32
      %neg3A_91 = vector.broadcast %neg3A_90 : f32 to vector<64x128xf32>
      %neg3A_92 = arith.subf %neg3A_91, %abs3A_89 : vector<64x128xf32>
      %exp3A_93 = math.exp %neg3A_92 : vector<64x128xf32>
      %log1p3A_94 = math.log1p %exp3A_93 : vector<64x128xf32>
      %add3A_95 = arith.addf %sub3A_88, %log1p3A_94 : vector<64x128xf32>
      %add3A_96 = arith.addf %scan3A_32, %add3A_95 : vector<64x128xf32>
      %add3A_97 = arith.constant 192 : i32
      %add3A_98 = arith.addi %mul3A_34, %add3A_97 : i32
      %get3A_99 = arith.index_cast %add3A_98 : i32 to index
      %get3A_100 = arith.constant 0 : index
      %get3A_101 = vector.load %arg1[%get3A_99, %get3A_100] : memref<2048x128xf32, #tpu.memory_space<vmem>>, vector<64x128xf32>
      %add3A_102 = arith.constant 192 : i32
      %add3A_103 = arith.addi %mul3A_34, %add3A_102 : i32
      %get3A_104 = arith.index_cast %add3A_103 : i32 to index
      %get3A_105 = arith.constant 0 : index
      %get3A_106 = vector.load %arg2[%get3A_104, %get3A_105] : memref<2048x128xf32, #tpu.memory_space<vmem>>, vector<64x128xf32>
      %max3A_107 = arith.constant 0.000000e+00 : f32
      %max3A_108 = vector.broadcast %max3A_107 : f32 to vector<64x128xf32>
      %max3A_109 = arith.maximumf %get3A_101, %max3A_108 : vector<64x128xf32>
      %mul3A_110 = arith.mulf %get3A_101, %get3A_106 : vector<64x128xf32>
      %sub3A_111 = arith.subf %max3A_109, %mul3A_110 : vector<64x128xf32>
      %abs3A_112 = math.absf %get3A_101 : vector<64x128xf32>
      %neg3A_113 = arith.constant 0.000000e+00 : f32
      %neg3A_114 = vector.broadcast %neg3A_113 : f32 to vector<64x128xf32>
      %neg3A_115 = arith.subf %neg3A_114, %abs3A_112 : vector<64x128xf32>
      %exp3A_116 = math.exp %neg3A_115 : vector<64x128xf32>
      %log1p3A_117 = math.log1p %exp3A_116 : vector<64x128xf32>
      %add3A_118 = arith.addf %sub3A_111, %log1p3A_117 : vector<64x128xf32>
      %add3A_119 = arith.addf %scan3A_33, %add3A_118 : vector<64x128xf32>
      scf.yield %add3A_50, %add3A_73, %add3A_96, %add3A_119 : vector<64x128xf32>, vector<64x128xf32>, vector<64x128xf32>, vector<64x128xf32>
    }
    %scan3A_11 = arith.constant 8 : i32
    %add3A = arith.addf %scan3A_10#0, %scan3A_10#1 : vector<64x128xf32>
    %add3A_12 = arith.addf %add3A, %scan3A_10#2 : vector<64x128xf32>
    %add3A_13 = arith.addf %add3A_12, %scan3A_10#3 : vector<64x128xf32>
    %reduce_sum3A = vector.shape_cast %add3A_13 : vector<64x128xf32> to vector<1x64x128xf32>
    %reduce_sum3A_14 = arith.constant dense<0.000000e+00> : vector<1xf32>
    %reduce_sum3A_15 = vector.multi_reduction <add>, %reduce_sum3A, %reduce_sum3A_14 [1, 2] : vector<1x64x128xf32> to vector<1xf32>
    %reduce_sum3A_16 = vector.shape_cast %reduce_sum3A_15 : vector<1xf32> to vector<1x1x1xf32>
    %reduce_sum3A_17 = vector.extract %reduce_sum3A_16[0, 0, 0] : f32 from vector<1x1x1xf32>
    %eq3A = arith.constant 0 : i32
    %eq3A_18 = arith.cmpi eq, %arg0, %eq3A : i32
    %convert_element_type3A = arith.extui %eq3A_18 : i1 to i32
    %cond3A = arith.constant 0 : i32
    %cond3A_19 = arith.cmpi ne, %convert_element_type3A, %cond3A : i32
    scf.if %cond3A_19 {
      %swap3A = arith.constant 0 : index
      %swap3A_29 = memref.load %arg4[%swap3A] : memref<1xf32, #tpu.memory_space<smem>>
      memref.store %reduce_sum3A_17, %arg4[%swap3A] : memref<1xf32, #tpu.memory_space<smem>>
    } else {
    }
    %gt3A = arith.constant 0 : i32
    %gt3A_20 = arith.cmpi sgt, %arg0, %gt3A : i32
    %convert_element_type3A_21 = arith.extui %gt3A_20 : i1 to i32
    %cond3A_22 = arith.constant 0 : i32
    %cond3A_23 = arith.cmpi ne, %convert_element_type3A_21, %cond3A_22 : i32
    scf.if %cond3A_23 {
      %get3A = arith.constant 0 : index
      %get3A_29 = memref.load %arg4[%get3A] : memref<1xf32, #tpu.memory_space<smem>>
      %add3A_30 = arith.addf %get3A_29, %reduce_sum3A_17 : f32
      %swap3A = arith.constant 0 : index
      %swap3A_31 = memref.load %arg4[%swap3A] : memref<1xf32, #tpu.memory_space<smem>>
      memref.store %add3A_30, %arg4[%swap3A] : memref<1xf32, #tpu.memory_space<smem>>
    } else {
    }
    %eq3A_24 = arith.constant 3 : i32
    %eq3A_25 = arith.cmpi eq, %arg0, %eq3A_24 : i32
    %convert_element_type3A_26 = arith.extui %eq3A_25 : i1 to i32
    %cond3A_27 = arith.constant 0 : i32
    %cond3A_28 = arith.cmpi ne, %convert_element_type3A_26, %cond3A_27 : i32
    scf.if %cond3A_28 {
      %get3A = arith.constant 0 : index
      %get3A_29 = memref.load %arg4[%get3A] : memref<1xf32, #tpu.memory_space<smem>>
      %swap3A = arith.constant 0 : index
      %swap3A_30 = memref.load %arg3[%swap3A] : memref<1xf32, #tpu.memory_space<smem>>
      memref.store %get3A_29, %arg3[%swap3A] : memref<1xf32, #tpu.memory_space<smem>>
    } else {
    }
    return
  }
  func.func @transform_0(%arg0: i32) -> (i32, i32) {
    %c0_i32 = arith.constant 0 : i32
    %c0_i32_0 = arith.constant 0 : i32
    return %arg0, %c0_i32 : i32, i32
  }
  func.func @transform_1(%arg0: i32) -> (i32, i32) {
    %c0_i32 = arith.constant 0 : i32
    %c0_i32_0 = arith.constant 0 : i32
    return %arg0, %c0_i32 : i32, i32
  }
  func.func @transform_2(%arg0: i32) -> i32 {
    %c0_i32 = arith.constant 0 : i32
    %c0_i32_0 = arith.constant 0 : i32
    return %c0_i32 : i32
  }
}

</mosaic_0001>

<sc_bundles>
// kernel: kernel.4.cloned.1.call-start
scs
__scs_entry_jumppad:
0x0: {  	(pc) =	sbr.rel $0x88, $3  }
0x1: {  	(tag) =	ssettag $0x0;
	lr =	simm.s32 $0x1  }
0x2: {  	[smem:$0x3F9F] =	sst lr;
	_ =	strace $0xD0000000  }
0x3: {  	_ = 	snop  }
0x4: {  	_ = 	snop  }
0x5: {  	_ = 	snop  }
0x6: {  	_ = 	snop  }
0x7: {  	_ = 	snop  }
__scs_overlays_trampoline_lowered:
0x8: {  	[smem:$0x3FAE] =	sst s0  }
0x9: {  	[smem:$0x3FAF] =	sst s1  }
0xa: {  	[smem:$0x3FB0] =	sst s2  }
0xb: {  	[smem:$0x3FB1] =	sst s3  }
0xc: {  	[smem:$0x3FB2] =	sst s4  }
0xd: {  	[smem:$0x3FB3] =	sst s5  }
0xe: {  	[smem:$0x3FB4] =	sst s6  }
0xf: {  	[smem:$0x3FB5] =	sst s7  }
0x10: {  	[smem:$0x3FB6] =	sst s8  }
0x11: {  	[smem:$0x3FB7] =	sst s9;
	s0 =	simm.s32 @!p0 $0x0  }
0x12: {  	s1 =	sld [smem:$0x3F9D];
	s0 =	simm.s32 @p0 $0x1  }
0x13: {  	[smem:$0x3FB8] =	sst s0;
	s0 =	simm.s32 @!p1 $0x0  }
0x14: {  	s2 =	sld [smem:$0x3F9C];
	s0 =	simm.s32 @p1 $0x1  }
0x15: {  	[smem:$0x3FB9] =	sst s0;
	s0 =	simm.s32 @!p2 $0x0  }
0x16: {  	s3 =	sld [smem:$0x3FDB];
	s0 =	simm.s32 @p2 $0x1  }
0x17: {  	s4 =	simm.s32 $0x1BF5;
	[smem:$0x3FBB] =	sst s0  }
0x18: {  	s0 =	sld [smem:$0x3F9E];
	_ =	swait.ge [sflag:s4], $0x0  }
0x19: {  	s7 =	sld [smem:$0x3F9F]  }
0x1a: {  	s8 =	sadd.s32 $0xFFFFE003, lr  }
0x1b: {  	s9 =	sadd.s32 $0xFFFFFEF7, lr;
	s5 =	simm.s32 $0xFFFFFFFF;
	p2 =	slt.u32 s8, $0xFFFFF086  }
0x1c: {  	p1 =	slt.u32 s9, $0xF7A;
	s5 =	simm.s32 @!p2 $0x0  }
0x1d: {  	s5 =	simm.s32 @p1 $0x1;
	p0 =	seq.s32 s7, s2  }
0x1e: {  	s7 =	smul.u32 @!p0 $0xF7A, s2;
	p2 =	seq.s32 @!p0 s5, $0x0  }
0x1f: {  	s9 =	smul.u32 $0xF7A, s1;
	s8 =	simm.s32 @!p0 $0x1BF5;
	p2 =	por !p2, p0  }
0x20: {  	[sflag:s8] =	ssyncset.s32 @!p0 $0xFFFFF086;
	s6 =	sadd.s32 @!p0 s3, s7;
	s7 =	simm.s32 @!p0 $0x108  }
0x21: {  	s3 =	sadd.s32 s3, s9;
	s6 =	sadd.s32 @!p0 $0x88, s6;
	s7 =	simm.s32 @p2 $0x1082  }
0x22: {  	[simem:s7], [sflag:s8] =	dma.local @!p0 [hbm:s6], $0xF7A  }
0x23: {  	s9 =	sor.u32 $0xD0000000, s2;
	s6 =	simm.s32 $0x108;
	_ =	swait.ge @!p0 [sflag:s8], $0x0  }
0x24: {  	s3 =	sadd.s32 $0x88, s3;
	s6 =	simm.s32 @!p1 $0x1082;
	[sflag:s4] =	ssyncset.s32 $0xFFFFF086  }
0x25: {  	[simem:s6], [sflag:s4] =	dma.local [hbm:s3], $0xF7A  }
0x26: {  	[smem:$0x3F9F] =	sst s1;
	(tag) =	ssettag s2;
	_ =	strace s9  }
0x27: {  	s1 =	sld [smem:$0x3FAF]  }
0x28: {  	s2 =	sld [smem:$0x3FB0]  }
0x29: {  	s4 =	sld [smem:$0x3FB2]  }
0x2a: {  	p0 =	seq.s32 s5, $0x0;
	s5 =	sld [smem:$0x3FB3]  }
0x2b: {  	s6 =	sld [smem:$0x3FB4]  }
0x2c: {  	s7 =	sld [smem:$0x3FB5]  }
0x2d: {  	s3 =	simm.s32 $0x108;
	s8 =	sld [smem:$0x3FB6]  }
0x2e: {  	s3 =	simm.s32 @!p0 $0x1082;
	s9 =	sld [smem:$0x3FB7]  }
0x2f: {  	lr =	sadd.s32 s0, s3;
	s0 =	sld [smem:$0x3FAE]  }
0x30: {  	s3 =	sld [smem:$0x3FB1]  }
0x31: {  	[smem:$0x3FBA] =	sst s10  }
0x32: {  	s10 =	sld [smem:$0x3FB8];
	_ =	sdelay $0x3  }
0x33: {  	p0 =	seq.s32 s10, $0x1;
	s10 =	sld [smem:$0x3FBA];
	_ =	sdelay $0x3  }
0x34: {  	[smem:$0x3FBA] =	sst s10  }
0x35: {  	s10 =	sld [smem:$0x3FB9];
	_ =	sdelay $0x3  }
0x36: {  	p1 =	seq.s32 s10, $0x1;
	s10 =	sld [smem:$0x3FBA];
	_ =	sdelay $0x3  }
0x37: {  	[smem:$0x3FBA] =	sst s10  }
0x38: {  	s10 =	sld [smem:$0x3FBB]  }
0x39: {  	_ = 	snop;
	(pc) =	sbr.ind lr, $3  }
0x3a: {  	_ = 	snop  }
0x3b: {  	_ = 	snop  }
0x3c: {  	p2 =	seq.s32 s10, $0x1;
	s10 =	sld [smem:$0x3FBA]  }
0x3d: {  	_ =	shalt  }
0x3e: {  	_ =	shalt  }
0x3f: {  	_ =	shalt  }
0x40: {  	_ =	shalt  }
0x41: {  	_ =	shalt  }
0x42: {  	_ =	shalt  }
0x43: {  	_ =	shalt  }
0x44: {  	_ =	shalt  }
0x45: {  	_ =	shalt  }
0x46: {  	_ =	shalt  }
0x47: {  	_ =	shalt  }
0x48: {  	_ =	shalt  }
0x49: {  	_ =	shalt  }
0x4a: {  	_ =	shalt  }
0x4b: {  	_ =	shalt  }
0x4c: {  	_ =	shalt  }
0x4d: {  	_ =	shalt  }
0x4e: {  	_ =	shalt  }
0x4f: {  	_ =	shalt  }
0x50: {  	_ =	shalt  }
0x51: {  	_ =	shalt  }
0x52: {  	_ =	shalt  }
0x53: {  	_ =	shalt  }
0x54: {  	_ =	shalt  }
0x55: {  	_ =	shalt  }
0x56: {  	_ =	shalt  }
0x57: {  	_ =	shalt  }
0x58: {  	_ =	shalt  }
0x59: {  	_ =	shalt  }
0x5a: {  	_ =	shalt  }
0x5b: {  	_ =	shalt  }
0x5c: {  	_ =	shalt  }
0x5d: {  	_ =	shalt  }
0x5e: {  	_ =	shalt  }
0x5f: {  	_ =	shalt  }
0x60: {  	_ =	shalt  }
0x61: {  	_ =	shalt  }
0x62: {  	_ =	shalt  }
0x63: {  	_ =	shalt  }
0x64: {  	_ =	shalt  }
0x65: {  	_ =	shalt  }
0x66: {  	_ =	shalt  }
0x67: {  	_ =	shalt  }
0x68: {  	_ =	shalt  }
0x69: {  	_ =	shalt  }
0x6a: {  	_ =	shalt  }
0x6b: {  	_ =	shalt  }
0x6c: {  	_ =	shalt  }
0x6d: {  	_ =	shalt  }
0x6e: {  	_ =	shalt  }
0x6f: {  	_ =	shalt  }
0x70: {  	_ =	shalt  }
0x71: {  	_ =	shalt  }
0x72: {  	_ =	shalt  }
0x73: {  	_ =	shalt  }
0x74: {  	_ =	shalt  }
0x75: {  	_ =	shalt  }
0x76: {  	_ =	shalt  }
0x77: {  	_ =	shalt  }
0x78: {  	_ =	shalt  }
0x79: {  	_ =	shalt  }
0x7a: {  	_ =	shalt  }
0x7b: {  	_ =	shalt  }
0x7c: {  	_ =	shalt  }
0x7d: {  	_ =	shalt  }
0x7e: {  	_ =	shalt  }
0x7f: {  	_ =	shalt  }
0x80: {  	_ =	shalt  }
0x81: {  	_ =	shalt  }
0x82: {  	_ =	shalt  }
0x83: {  	_ =	shalt  }
0x84: {  	_ =	shalt  }
0x85: {  	_ =	shalt  }
0x86: {  	_ =	shalt  }
0x87: {  	_ =	shalt  }
.Lfunc_end0:
.L_simem_size_0:
called_computation_lowered:
.L_overlay_start_0:
0x88: {  	s2 =	sld [smem:$0x3FD9]  }
0x89: {  	s3 =	sld [smem:$0x3FFE];
	_ =	sdelay $0x1  }
0x8a: {  	s1 =	srdreg.scid  }
0x8b: {  	s0 =	sand.u32 $0x1, s1  }
0x8c: {  	s17 =	sshll.u32 s0, $0xA;
	s2 =	sadd.s32 s3, s2  }
0x8d: {  	s2 =	sadd.s32 s2, s17  }
0x8e: {  	[smem:$0x3FC6] =	sst s2  }
0x8f: {  	_ = 	snop  }
0x90: {  	s2 =	sld [smem:$0x3FC9]  }
0x91: {  	s18 =	sld [smem:$0x3FC8];
	(tm) =	ssettm $0x1  }
0x92: {  	s4 =	sld [smem:$0x3FFB];
	_ =	sdelay $0x3  }
0x93: {  	_ =	strace s4  }
0x94: {  	s4 =	sld [smem:$0x3FFC];
	_ =	sdelay $0x3  }
0x95: {  	_ =	strace s4  }
0x96: {  	s4 =	sld [smem:$0x3FFD];
	_ =	sdelay $0x3  }
0x97: {  	_ =	strace s4  }
0x98: {  	_ =	strace $0x8FFFFFFF  }
0x99: {  	s19 =	sld [smem:$0x3FDB];
	_ =	sdelay $0x1  }
0x9a: {  	s5 =	simm.s32 $_scs_section_size  }
0x9b: {  	s6 =	simm.s32 $_size__tile_overlayer_lowered;
	s7 =	simm.s32 $_tile_overlayer_lowered  }
0x9c: {  	s22 =	simm.s32 $0x1BFF;
	s21 =	sshll.u32 s7, $0x1;
	s4 =	sadd.s32 s5, s19  }
0x9d: {  	s8 =	simm.s32 $0x0;
	s20 =	sshll.u32 s6, $0x1;
	s6 =	sadd.s32 s21, s4  }
0x9e: {  	[timem:s8], [sflag:s22] =	dma.local [hbm:s6], s20  }
0x9f: {  	_ =	swait.ge [sflag:s22], s20  }
0xa0: {  	s5 =	ssub.s32 $0x0, s20;
	[sflag:s22] =	ssyncset.done $0x0  }
0xa1: {  	[sflag:s22] =	ssyncadd.s32 s5;
	_ =	sdelay $0x1  }
0xa2: {  	s23 =	simm.s32 $0x1B8B  }
0xa3: {  	_ =	swait.ge [sflag:s23], $0x1  }
0xa4: {  	[sflag:s23] =	ssyncset.done $0x0  }
0xa5: {  	s25 =	simm.s32 $0x1B8E;
	s24 =	sld [smem:$0x3FFE];
	[sflag:s23] =	ssyncadd.s32 $0xFFFFFFFF  }
0xa6: {  	s26 =	simm.s32 $execute0_lowered;
	[smem:$0x3FD2] =	sst s25  }
0xa7: {  	s6 =	sshll.u32 s26, $0x1;
	_ =	strace $0x80000046;
	[dreg:$0x1] =	wrdreg $0xFFFFFFFF  }
0xa8: {  	s28 =	simm.s32 $_size_execute0_lowered;
	s4 =	sadd.s32 s4, s6;
	[dreg:$0x0] =	wrdreg $0x0  }
0xa9: {  	s6 =	sshll.u32 s28, $0x1;
	[dreg:$0x2] =	wrdreg s4  }
0xaa: {  	[dreg:$0x3] =	wrdreg s6  }
0xab: {  	[dreg:$0x4] =	wrdreg $0xC0  }
0xac: {  	_ =	task [dreg:s8], $0x5FFFF  }
0xad: {  	[dreg:$0x1] =	wrdreg $0xFFFFFFFF  }
0xae: {  	[dreg:$0x0] =	wrdreg $0x60  }
0xaf: {  	[dreg:$0x2] =	wrdreg s2  }
0xb0: {  	[dreg:$0x3] =	wrdreg s18  }
0xb1: {  	[dreg:$0x4] =	wrdreg s24  }
0xb2: {  	[dreg:$0x5] =	wrdreg $0x9  }
0xb3: {  	_ =	task.clear_ibuf [dreg:s8], $0x6FFFF;
	_ =	strace $0x90000046  }
0xb4: {  	s29 =	simm.s32 $0x9;
	_ =	strace $0x80000048  }
0xb5: {  	_ =	swait.ge [sflag:s29], $0x1  }
0xb6: {  	[sflag:s29] =	ssyncadd.s32 $0xFFFFFFFF  }
0xb7: {  	_ =	strace $0x90000048  }
0xb8: {  	_ =	sfence  }
0xb9: {  	s30 =	sld [smem:$0x0];
	_ =	sdelay $0x2  }
0xba: {  	s31 =	sshll.u32 s1, $0xD;
	s1 =	sshrl.u32 s1, $0x2  }
0xbb: {  	s3 =	sand.u32 $0x4000, s31;
	s1 =	sadd.s32 s1, s30  }
0xbc: {  	s0 =	sor.u32 s3, s0;
	s1 =	sshll.u32 s1, $0x11  }
0xbd: {  	s0 =	sor.u32 s1, s0  }
0xbe: {  	s0 =	sadd.s32 $0x8F2B, s0  }
0xbf: {  	[sflag:s0] =	ssyncadd.remote.s32 $0x1  }
0xc0: {  	_ =	sfence.sel $0xFFFF  }
0xc1: {  	[dreg:$0x0] =	wrdreg $0xFFFFFFFF;
	(pc) =	sbr.abs _section_cstart, $3  }
0xc2: {  	[dreg:$0x1] =	wrdreg $0xFFFFFFFF  }
0xc3: {  	_ =	task.clear_ibuf [dreg:s8], $0x2FFFF;
	_ =	strace $0x9FFFFFFF  }
0xc4: {  	(tm) =	ssettm $0x7FFFFFFF  }
0xc5: {  	_ =	shalt  }
tec
execute0_lowered:
.L_overlay_start_1:
0x0: {  	(tag) =	ssettag $0x1  }
0x1: {  	s3 =	rddreg [dreg:$0x0]  }
0x2: {  	s4 =	rddreg [dreg:$0x1]  }
0x3: {  	s5 =	rddreg [dreg:$0x2]  }
0x4: {  	s0 =	rddreg [dreg:$0x3];
	s2 =	simm.s32 $0x0;
	s6 =	srdreg.scid  }
0x5: {  	s1 =	stileid.u32;
	s9 =	simm.s32 $0x10000;
	s10 =	simm.s32 $0x0  }
0x6: {  	[smem:$0x7FF] =	sst s2;
	s6 =	sand.u32 $0x1, s6;
	s7 =	sshll.u32 s1, $0x1  }
0x7: {  	_ =	strace $0x80000047;
	s7 =	sor.u32 s6, s7;
	s6 =	ssub.s32 $0x2, s6  }
0x8: {  	s8 =	sshll.u32 s7, $0x4;
	s7 =	sshll.u32 s7, $0xC;
	s31 =	sshrl.u32 s6, $0x1  }
0x9: {  	s5 =	sadd.s32 s8, s5;
	s7 =	sor.u32 $0x20000, s7;
	s6 =	ssub.s32 s6, s31  }
0xa: {  	s8 =	simm.s32 $0x8000;
	s3 =	sadd.s32 s3, s7;
	s4 =	sadd.s32 s4, s7  }
0xb: {  	s5 =	sadd.s32 $0x400, s5;
	s6 =	smax.u32 s6, $0x1;
	s7 =	simm.s32 $0x1  }
.LBB2_1:
0xc: {  	[tilespmem:s2], [sflag:$0x1] =	stream.linear.gather [hbm4b:s3+s2], $0x8000, $0x38;
	[tilespmem:$0x10080] =	vst v63  }
0xd: {  	_ =	swait.ge [sflag:s7], $0x8000  }
0xe: {  	[sflag:s7] =	ssyncset.done $0x0  }
0xf: {  	[sflag:s7] =	ssyncadd.s32 $0xFFFF8000  }
0x10: {  	[tilespmem:s8], [sflag:$0x1] =	stream.linear.gather [hbm4b:s4+s2], $0x8000, $0x38;
	[tilespmem:$0x10080] =	vst v63  }
0x11: {  	_ =	swait.ge [sflag:s7], $0x8000  }
0x12: {  	[sflag:s7] =	ssyncset.done $0x0  }
0x13: {  	s11 =	simm.s32 $0x0;
	[sflag:s7] =	ssyncadd.s32 $0xFFFF8000  }
0x14: {  	v0 =	vld [tilespmem:s11+$0x70]  }
0x15: {  	v5 =	vld [tilespmem:s11+$0x60]  }
0x16: {  	v6 =	vld [tilespmem:s11+$0x50]  }
0x17: {  	v7 =	vld [tilespmem:s11+$0x40]  }
0x18: {  	v8 =	vld [tilespmem:s11+$0x30]  }
0x19: {  	v9 =	vld [tilespmem:s11+$0x20]  }
0x1a: {  	v10 =	vld [tilespmem:s11+$0x10]  }
0x1b: {  	v11 =	vld [tilespmem:s11+$0x0]  }
0x1c: {  	v18 =	vld [tilespmem:s11+$0x8030]  }
0x1d: {  	v1 =	vand.u32 $0x7FFFFFFF, v0;
	v2 =	vand.u32 $0x7FFFFFFF, v5;
	v3 =	vand.u32 $0x7FFFFFFF, v6  }
0x1e: {  	v4 =	vand.u32 $0x7FFFFFFF, v7;
	v12 =	vand.u32 $0x7FFFFFFF, v8;
	v1 =	vsub.f32 $0.0e+00, v1  }
0x1f: {  	v13 =	vand.u32 $0x7FFFFFFF, v9;
	v14 =	vand.u32 $0x7FFFFFFF, v10;
	v2 =	vsub.f32 $0.0e+00, v2  }
0x20: {  	v15 =	vand.u32 $0x7FFFFFFF, v11;
	v3 =	vsub.f32 $0.0e+00, v3;
	v1 =	vmul.f32 $1.442695020e+00, v1  }
0x21: {  	v18 =	vmul.f32 v18, v8;
	v4 =	vsub.f32 $0.0e+00, v4;
	v2 =	vmul.f32 $1.442695020e+00, v2  }
0x22: {  	v16 =	vld [tilespmem:s11+$0x8070];
	v12 =	vsub.f32 $0.0e+00, v12;
	v3 =	vmul.f32 $1.442695020e+00, v3;
	(erf) = vpow2.f32 v1  }
0x23: {  	v19 =	vld [tilespmem:s11+$0x8020];
	v4 =	vmul.f32 $1.442695020e+00, v4;
	v1 =	vsub.f32 $0.0e+00, v13;
	(erf) = vpow2.f32 v2  }
0x24: {  	v17 =	vld [tilespmem:s11+$0x8040];
	v12 =	vmul.f32 $1.442695020e+00, v12;
	v2 =	vsub.f32 $0.0e+00, v14;
	(erf) = vpow2.f32 v3  }
0x25: {  	v13 =	vld [tilespmem:s11+$0x8060];
	v3 =	vsub.f32 $0.0e+00, v15;
	v15 =	vmul.f32 $1.442695020e+00, v1;
	(erf) = vpow2.f32 v4  }
0x26: {  	v14 =	vld [tilespmem:s11+$0x8050];
	v4 =	vmul.f32 $1.442695020e+00, v2;
	(erf) = vpow2.f32 v12  }
0x27: {  	v12 =	vmul.f32 $1.442695020e+00, v3;
	(erf) = vpow2.f32 v15  }
0x28: {  	v21 =	vmax.f32 v9, $0.0e+00;
	v9 =	vmul.f32 v19, v9;
	(erf) = vpow2.f32 v4  }
0x29: {  	v2 =	vmax.f32 v0, $0.0e+00;
	v3 =	vmul.f32 v16, v0;
	v0 =	vld [tilespmem:s11+$0x8000];
	(erf) = vpow2.f32 v12  }
0x2a: {  	v15 =	vld [tilespmem:s11+$0x8010];
	v4 =	vmax.f32 v5, $0.0e+00;
	v5 =	vmul.f32 v13, v5;
	v13 =	vmax.f32 v6, $0.0e+00  }
0x2b: {  	v17 =	vmul.f32 v17, v7;
	v20 =	vmax.f32 v10, $0.0e+00;
	v14 =	vmul.f32 v14, v6;
	v6 =	vpop (erf)  }
0x2c: {  	v19 =	vmax.f32 v11, $0.0e+00;
	v9 =	vsub.f32 v21, v9;
	v16 =	vmax.f32 v8, $0.0e+00;
	v8 =	vpop (erf)  }
0x2d: {  	v1 =	vimm.f32 $0.0e+00;
	v12 =	vmax.f32 v7, $0.0e+00;
	v7 =	vsub.f32 v13, v14;
	v13 =	vpop (erf)  }
0x2e: {  	v14 =	vsub.f32 v16, v18;
	v0 =	vmul.f32 v0, v11;
	v16 =	vmul.f32 $1.048367280e-02, v6;
	v11 =	vpop (erf)  }
0x2f: {  	v15 =	vmul.f32 v15, v10;
	v10 =	vsub.f32 v12, v17;
	v12 =	vmul.f32 $1.048367280e-02, v8;
	v17 =	vpop (erf)  }
0x30: {  	v0 =	vsub.f32 v19, v0;
	v57 =	vmul.f32 $1.048367280e-02, v13;
	v16 =	vadd.f32 $-5.410711470e-02, v16;
	v58 =	vpop (erf)  }
0x31: {  	v15 =	vsub.f32 v20, v15;
	v18 =	vmul.f32 $1.048367280e-02, v11;
	v12 =	vadd.f32 $-5.410711470e-02, v12;
	v23 =	vpop (erf)  }
0x32: {  	v22 =	vmul.f32 $1.048367280e-02, v17;
	v20 =	vadd.f32 $-5.410711470e-02, v57;
	v16 =	vmul.f32 v16, v6;
	v25 =	vpop (erf)  }
0x33: {  	v19 =	vmul.f32 $1.048367280e-02, v58;
	v18 =	vadd.f32 $-5.410711470e-02, v18;
	v26 =	vmul.f32 $1.048367280e-02, v25  }
0x34: {  	v12 =	vmul.f32 v12, v8;
	v24 =	vmul.f32 $1.048367280e-02, v23;
	v22 =	vadd.f32 $-5.410711470e-02, v22  }
0x35: {  	v20 =	vmul.f32 v20, v13;
	v16 =	vadd.f32 $1.331444680e-01, v16;
	v26 =	vadd.f32 $-5.410711470e-02, v26  }
0x36: {  	v19 =	vadd.f32 $-5.410711470e-02, v19;
	v18 =	vmul.f32 v18, v11;
	v12 =	vadd.f32 $1.331444680e-01, v12  }
0x37: {  	v24 =	vadd.f32 $-5.410711470e-02, v24;
	v22 =	vmul.f32 v22, v17;
	v26 =	vmul.f32 v26, v25  }
0x38: {  	v20 =	vadd.f32 $1.331444680e-01, v20;
	v16 =	vmul.f32 v16, v6;
	v19 =	vmul.f32 v19, v58  }
0x39: {  	v18 =	vadd.f32 $1.331444680e-01, v18;
	v24 =	vmul.f32 v24, v23;
	v26 =	vadd.f32 $1.331444680e-01, v26  }
0x3a: {  	v12 =	vmul.f32 v12, v8;
	v22 =	vadd.f32 $1.331444680e-01, v22;
	v20 =	vmul.f32 v20, v13  }
0x3b: {  	v16 =	vadd.f32 $-2.247545270e-01, v16;
	v24 =	vadd.f32 $1.331444680e-01, v24;
	v26 =	vmul.f32 v26, v25  }
0x3c: {  	v19 =	vadd.f32 $1.331444680e-01, v19;
	v18 =	vmul.f32 v18, v11;
	v12 =	vadd.f32 $-2.247545270e-01, v12  }
0x3d: {  	v22 =	vmul.f32 v22, v17;
	v24 =	vmul.f32 v24, v23;
	v26 =	vadd.f32 $-2.247545270e-01, v26  }
0x3e: {  	v20 =	vadd.f32 $-2.247545270e-01, v20;
	v16 =	vmul.f32 v16, v6;
	v19 =	vmul.f32 v19, v58  }
0x3f: {  	v18 =	vadd.f32 $-2.247545270e-01, v18;
	v24 =	vadd.f32 $-2.247545270e-01, v24;
	v26 =	vmul.f32 v26, v25  }
0x40: {  	v12 =	vmul.f32 v12, v8;
	v22 =	vadd.f32 $-2.247545270e-01, v22;
	v19 =	vadd.f32 $-2.247545270e-01, v19  }
0x41: {  	v20 =	vmul.f32 v20, v13;
	v24 =	vmul.f32 v24, v23;
	v26 =	vadd.f32 $3.277874890e-01, v26  }
0x42: {  	v16 =	vadd.f32 $3.277874890e-01, v16;
	v18 =	vmul.f32 v18, v11;
	v19 =	vmul.f32 v19, v58  }
0x43: {  	v12 =	vadd.f32 $3.277874890e-01, v12;
	v24 =	vadd.f32 $3.277874890e-01, v24;
	v26 =	vmul.f32 v26, v25  }
0x44: {  	v22 =	vmul.f32 v22, v17;
	v20 =	vadd.f32 $3.277874890e-01, v20;
	v19 =	vadd.f32 $3.277874890e-01, v19  }
0x45: {  	v16 =	vmul.f32 v16, v6;
	v24 =	vmul.f32 v24, v23;
	v26 =	vadd.f32 $-4.993799330e-01, v26  }
0x46: {  	v18 =	vadd.f32 $3.277874890e-01, v18;
	v22 =	vadd.f32 $3.277874890e-01, v22;
	v19 =	vmul.f32 v19, v58  }
0x47: {  	v12 =	vmul.f32 v12, v8;
	v24 =	vadd.f32 $-4.993799330e-01, v24;
	v26 =	vmul.f32 v26, v25  }
0x48: {  	v20 =	vmul.f32 v20, v13;
	v22 =	vmul.f32 v22, v17;
	v19 =	vadd.f32 $-4.993799330e-01, v19  }
0x49: {  	v16 =	vadd.f32 $-4.993799330e-01, v16;
	v24 =	vmul.f32 v24, v23;
	v26 =	vadd.f32 $9.999731180e-01, v26  }
0x4a: {  	v18 =	vmul.f32 v18, v11;
	v22 =	vadd.f32 $-4.993799330e-01, v22;
	v19 =	vmul.f32 v19, v58  }
0x4b: {  	v12 =	vadd.f32 $-4.993799330e-01, v12;
	v24 =	vadd.f32 $9.999731180e-01, v24;
	v25 =	vmul.f32 v26, v25  }
0x4c: {  	v18 =	vadd.f32 $-4.993799330e-01, v18;
	v22 =	vmul.f32 v22, v17;
	v19 =	vadd.f32 $9.999731180e-01, v19  }
0x4d: {  	v20 =	vadd.f32 $-4.993799330e-01, v20;
	v23 =	vmul.f32 v24, v23;
	v25 =	vadd.f32 $1.921637250e-07, v25  }
0x4e: {  	v18 =	vmul.f32 v18, v11;
	v59 =	vadd.f32 $9.999731180e-01, v22;
	v19 =	vmul.f32 v19, v58  }
0x4f: {  	v20 =	vmul.f32 v20, v13;
	v23 =	vadd.f32 $1.921637250e-07, v23;
	v60 =	vadd.f32 v25, v0  }
0x50: {  	v18 =	vadd.f32 $9.999731180e-01, v18;
	v17 =	vmul.f32 v59, v17;
	v19 =	vadd.f32 $1.921637250e-07, v19  }
0x51: {  	v12 =	vmul.f32 v12, v8;
	v15 =	vadd.f32 v23, v15;
	v61 =	vadd.f32 v60, v1  }
0x52: {  	v20 =	vadd.f32 $9.999731180e-01, v20;
	v18 =	vmul.f32 v18, v11;
	v17 =	vadd.f32 $1.921637250e-07, v17  }
0x53: {  	s11 =	simm.s32 $0x80;
	v9 =	vadd.f32 v19, v9;
	v15 =	vadd.f32 v15, v61  }
0x54: {  	v16 =	vmul.f32 v16, v6;
	v62 =	vadd.f32 $9.999731180e-01, v12;
	v12 =	vld [tilespmem:s11+$0x40];
	v18 =	vadd.f32 $1.921637250e-07, v18  }
0x55: {  	v11 =	vld [tilespmem:s11+$0x50];
	v14 =	vadd.f32 v17, v14;
	v19 =	vmul.f32 v20, v13;
	v15 =	vadd.f32 v9, v15  }
0x56: {  	v16 =	vadd.f32 $9.999731180e-01, v16;
	v10 =	vadd.f32 v18, v10;
	v13 =	vld [tilespmem:s11+$0x30]  }
0x57: {  	v0 =	vld [tilespmem:s11+$0x70];
	v17 =	vadd.f32 $1.921637250e-07, v19;
	v14 =	vadd.f32 v14, v15  }
0x58: {  	v8 =	vmul.f32 v62, v8;
	v18 =	vsub.f32 v4, v5;
	v1 =	vld [tilespmem:s11+$0x60]  }
0x59: {  	v5 =	vmul.f32 v16, v6;
	v7 =	vadd.f32 v17, v7;
	v9 =	vld [tilespmem:s11+$0x20];
	v14 =	vadd.f32 v10, v14  }
0x5a: {  	v2 =	vsub.f32 v2, v3;
	v8 =	vadd.f32 $1.921637250e-07, v8;
	v10 =	vld [tilespmem:s11+$0x10]  }
0x5b: {  	v3 =	vadd.f32 $1.921637250e-07, v5;
	v5 =	vadd.f32 v7, v14;
	v14 =	vld [tilespmem:s11+$0x0]  }
0x5c: {  	v6 =	vand.u32 $0x7FFFFFFF, v12;
	v4 =	vand.u32 $0x7FFFFFFF, v11;
	v63 =	vand.u32 $0x7FFFFFFF, v0  }
0x5d: {  	v8 =	vadd.f32 v8, v18;
	v17 =	vsub.f32 $0.0e+00, v63;
	v19 =	vand.u32 $0x7FFFFFFF, v1  }
0x5e: {  	s12 =	simm.s32 $0x400;
	v15 =	vand.u32 $0x7FFFFFFF, v13;
	v16 =	vsub.f32 $0.0e+00, v19;
	v7 =	vand.u32 $0x7FFFFFFF, v9  }
.LBB2_2:
0x5f: {  	p0 =	sne.s32 s12, $0x1FE00;
	v18 =	vand.u32 $0x7FFFFFFF, v10;
	v5 =	vadd.f32 v8, v5;
	v2 =	vadd.f32 v3, v2  }
0x60: {  	v8 =	vsub.f32 $0.0e+00, v4;
	v3 =	vand.u32 $0x7FFFFFFF, v14;
	v17 =	vmul.f32 $1.442695020e+00, v17  }
0x61: {  	v6 =	vsub.f32 $0.0e+00, v6;
	v16 =	vmul.f32 $1.442695020e+00, v16;
	v4 =	vadd.f32 v2, v5  }
0x62: {  	v2 =	vsub.f32 $0.0e+00, v15;
	v5 =	vmul.f32 $1.442695020e+00, v8;
	v8 =	vld [tilespmem:s11+$0x8070];
	(erf) = vpow2.f32 v17  }
0x63: {  	v7 =	vsub.f32 $0.0e+00, v7;
	v6 =	vmul.f32 $1.442695020e+00, v6;
	v15 =	vld [tilespmem:s11+$0x8060];
	(erf) = vpow2.f32 v16  }
0x64: {  	v16 =	vsub.f32 $0.0e+00, v18;
	v2 =	vmul.f32 $1.442695020e+00, v2;
	v17 =	vld [tilespmem:s11+$0x8050];
	(erf) = vpow2.f32 v5  }
0x65: {  	v3 =	vsub.f32 $0.0e+00, v3;
	v5 =	vmul.f32 $1.442695020e+00, v7;
	v7 =	vld [tilespmem:s11+$0x8040];
	(erf) = vpow2.f32 v6  }
0x66: {  	v6 =	vmul.f32 $1.442695020e+00, v16;
	v16 =	vld [tilespmem:s11+$0x8030];
	(erf) = vpow2.f32 v2  }
0x67: {  	v18 =	vmul.f32 $1.442695020e+00, v3;
	v19 =	vld [tilespmem:s11+$0x8020];
	(erf) = vpow2.f32 v5  }
0x68: {  	v2 =	vmax.f32 v0, $0.0e+00;
	v3 =	vmul.f32 v8, v0;
	v20 =	vld [tilespmem:s11+$0x8010];
	(erf) = vpow2.f32 v6  }
0x69: {  	v5 =	vmax.f32 v1, $0.0e+00;
	v6 =	vmul.f32 v15, v1;
	v0 =	vld [tilespmem:s11+$0x8000];
	(erf) = vpow2.f32 v18  }
0x6a: {  	v8 =	vmax.f32 v11, $0.0e+00;
	v1 =	vmax.f32 v12, $0.0e+00;
	v11 =	vmul.f32 v17, v11  }
0x6b: {  	v15 =	vmax.f32 v13, $0.0e+00;
	v13 =	vmul.f32 v16, v13;
	v16 =	vmul.f32 v7, v12;
	v7 =	vpop (erf)  }
0x6c: {  	v17 =	vmax.f32 v10, $0.0e+00;
	v18 =	vmax.f32 v9, $0.0e+00;
	v19 =	vmul.f32 v19, v9;
	v9 =	vpop (erf)  }
0x6d: {  	v21 =	vmax.f32 v14, $0.0e+00;
	v8 =	vsub.f32 v8, v11;
	v22 =	vmul.f32 v20, v10;
	v12 =	vpop (erf)  }
0x6e: {  	v13 =	vsub.f32 v15, v13;
	v10 =	vsub.f32 v1, v16;
	v0 =	vmul.f32 v0, v14;
	v14 =	vpop (erf)  }
0x6f: {  	v16 =	vmul.f32 $1.048367280e-02, v9;
	v11 =	vsub.f32 v18, v19;
	v18 =	vmul.f32 $1.048367280e-02, v7;
	v15 =	vpop (erf)  }
0x70: {  	v19 =	vmul.f32 $1.048367280e-02, v12;
	v1 =	vsub.f32 v17, v22;
	v17 =	vmul.f32 $1.048367280e-02, v14;
	v20 =	vpop (erf)  }
0x71: {  	v0 =	vsub.f32 v21, v0;
	v22 =	vmul.f32 $1.048367280e-02, v15;
	v21 =	vmul.f32 $1.048367280e-02, v20;
	v23 =	vpop (erf)  }
0x72: {  	v16 =	vadd.f32 $-5.410711470e-02, v16;
	v18 =	vadd.f32 $-5.410711470e-02, v18;
	v24 =	vmul.f32 $1.048367280e-02, v23;
	v25 =	vpop (erf)  }
0x73: {  	v19 =	vadd.f32 $-5.410711470e-02, v19;
	v17 =	vadd.f32 $-5.410711470e-02, v17;
	v26 =	vmul.f32 $1.048367280e-02, v25  }
0x74: {  	v22 =	vadd.f32 $-5.410711470e-02, v22;
	v18 =	vmul.f32 v18, v7;
	v21 =	vadd.f32 $-5.410711470e-02, v21  }
0x75: {  	v16 =	vmul.f32 v16, v9;
	v19 =	vmul.f32 v19, v12;
	v26 =	vadd.f32 $-5.410711470e-02, v26  }
0x76: {  	v17 =	vmul.f32 v17, v14;
	v24 =	vadd.f32 $-5.410711470e-02, v24;
	v22 =	vmul.f32 v22, v15  }
0x77: {  	v16 =	vadd.f32 $1.331444680e-01, v16;
	v18 =	vadd.f32 $1.331444680e-01, v18;
	v26 =	vmul.f32 v26, v25  }
0x78: {  	v19 =	vadd.f32 $1.331444680e-01, v19;
	v21 =	vmul.f32 v21, v20;
	v17 =	vadd.f32 $1.331444680e-01, v17  }
0x79: {  	v24 =	vmul.f32 v24, v23;
	v22 =	vadd.f32 $1.331444680e-01, v22;
	v26 =	vadd.f32 $1.331444680e-01, v26  }
0x7a: {  	v16 =	vmul.f32 v16, v9;
	v18 =	vmul.f32 v18, v7;
	v21 =	vadd.f32 $1.331444680e-01, v21  }
0x7b: {  	v19 =	vmul.f32 v19, v12;
	v24 =	vadd.f32 $1.331444680e-01, v24;
	v26 =	vmul.f32 v26, v25  }
0x7c: {  	v17 =	vmul.f32 v17, v14;
	v22 =	vmul.f32 v22, v15;
	v18 =	vadd.f32 $-2.247545270e-01, v18  }
0x7d: {  	v16 =	vadd.f32 $-2.247545270e-01, v16;
	v24 =	vmul.f32 v24, v23;
	v26 =	vadd.f32 $-2.247545270e-01, v26  }
0x7e: {  	v19 =	vadd.f32 $-2.247545270e-01, v19;
	v21 =	vmul.f32 v21, v20;
	v17 =	vadd.f32 $-2.247545270e-01, v17  }
0x7f: {  	v22 =	vadd.f32 $-2.247545270e-01, v22;
	v24 =	vadd.f32 $-2.247545270e-01, v24;
	v26 =	vmul.f32 v26, v25  }
0x80: {  	v16 =	vmul.f32 v16, v9;
	v18 =	vmul.f32 v18, v7;
	v21 =	vadd.f32 $-2.247545270e-01, v21  }
0x81: {  	v19 =	vmul.f32 v19, v12;
	v24 =	vmul.f32 v24, v23;
	v26 =	vadd.f32 $3.277874890e-01, v26  }
0x82: {  	v17 =	vmul.f32 v17, v14;
	v18 =	vadd.f32 $3.277874890e-01, v18;
	v21 =	vmul.f32 v21, v20  }
0x83: {  	v16 =	vadd.f32 $3.277874890e-01, v16;
	v24 =	vadd.f32 $3.277874890e-01, v24;
	v26 =	vmul.f32 v26, v25  }
0x84: {  	v22 =	vmul.f32 v22, v15;
	v19 =	vadd.f32 $3.277874890e-01, v19;
	v21 =	vadd.f32 $3.277874890e-01, v21  }
0x85: {  	v17 =	vadd.f32 $3.277874890e-01, v17;
	v24 =	vmul.f32 v24, v23;
	v26 =	vadd.f32 $-4.993799330e-01, v26  }
0x86: {  	v22 =	vadd.f32 $3.277874890e-01, v22;
	v18 =	vmul.f32 v18, v7;
	v21 =	vmul.f32 v21, v20  }
0x87: {  	v16 =	vmul.f32 v16, v9;
	v24 =	vadd.f32 $-4.993799330e-01, v24;
	v26 =	vmul.f32 v26, v25  }
0x88: {  	v19 =	vmul.f32 v19, v12;
	v22 =	vmul.f32 v22, v15;
	v21 =	vadd.f32 $-4.993799330e-01, v21  }
0x89: {  	v17 =	vmul.f32 v17, v14;
	v24 =	vmul.f32 v24, v23;
	v26 =	vadd.f32 $9.999731180e-01, v26  }
0x8a: {  	v18 =	vadd.f32 $-4.993799330e-01, v18;
	v22 =	vadd.f32 $-4.993799330e-01, v22;
	v21 =	vmul.f32 v21, v20  }
0x8b: {  	v16 =	vadd.f32 $-4.993799330e-01, v16;
	v24 =	vadd.f32 $9.999731180e-01, v24;
	v25 =	vmul.f32 v26, v25  }
0x8c: {  	v17 =	vadd.f32 $-4.993799330e-01, v17;
	v22 =	vmul.f32 v22, v15;
	v21 =	vadd.f32 $9.999731180e-01, v21  }
0x8d: {  	v19 =	vadd.f32 $-4.993799330e-01, v19;
	v23 =	vmul.f32 v24, v23;
	v25 =	vadd.f32 $1.921637250e-07, v25  }
0x8e: {  	v17 =	vmul.f32 v17, v14;
	v20 =	vmul.f32 v21, v20;
	v21 =	vadd.f32 $9.999731180e-01, v22  }
0x8f: {  	s11 =	sshra.s32 s12, $0x2;
	v19 =	vmul.f32 v19, v12;
	v23 =	vadd.f32 $1.921637250e-07, v23;
	v22 =	vadd.f32 v25, v0  }
0x90: {  	v17 =	vadd.f32 $9.999731180e-01, v17;
	v20 =	vadd.f32 $1.921637250e-07, v20;
	v15 =	vmul.f32 v21, v15;
	v0 =	vld [tilespmem:s11+$0x70]  }
0x91: {  	v16 =	vmul.f32 v16, v9;
	v21 =	vadd.f32 v23, v1;
	v4 =	vadd.f32 v22, v4  }
0x92: {  	v14 =	vmul.f32 v17, v14;
	v17 =	vadd.f32 $9.999731180e-01, v19;
	v15 =	vadd.f32 $1.921637250e-07, v15;
	v1 =	vld [tilespmem:s11+$0x60]  }
0x93: {  	v18 =	vmul.f32 v18, v7;
	v19 =	vadd.f32 v20, v11;
	v4 =	vadd.f32 v21, v4  }
0x94: {  	v16 =	vadd.f32 $9.999731180e-01, v16;
	v14 =	vadd.f32 $1.921637250e-07, v14;
	v17 =	vmul.f32 v17, v12;
	v11 =	vld [tilespmem:s11+$0x50]  }
0x95: {  	v15 =	vadd.f32 v15, v13;
	v12 =	vld [tilespmem:s11+$0x40];
	v20 =	vand.u32 $0x7FFFFFFF, v0;
	v4 =	vadd.f32 v19, v4  }
0x96: {  	v18 =	vadd.f32 $9.999731180e-01, v18;
	v16 =	vmul.f32 v16, v9;
	v17 =	vadd.f32 $1.921637250e-07, v17;
	v13 =	vld [tilespmem:s11+$0x30]  }
0x97: {  	v21 =	vadd.f32 v14, v10;
	v9 =	vld [tilespmem:s11+$0x20];
	v19 =	vand.u32 $0x7FFFFFFF, v1;
	v15 =	vadd.f32 v15, v4  }
.Ltmp0:
0x98: {  	v16 =	vadd.f32 $1.921637250e-07, v16;
	v22 =	vsub.f32 v5, v6;
	v5 =	vmul.f32 v18, v7;
	v10 =	vld [tilespmem:s11+$0x10];
	(pc) =	sbr.rel @p0 .LBB2_2-.Ltmp0, $4  }
0x99: {  	v8 =	vadd.f32 v17, v8;
	v14 =	vld [tilespmem:s11+$0x0];
	v4 =	vand.u32 $0x7FFFFFFF, v11;
	v7 =	vadd.f32 v21, v15  }
0x9a: {  	v2 =	vsub.f32 v2, v3;
	v3 =	vadd.f32 $1.921637250e-07, v5;
	v6 =	vand.u32 $0x7FFFFFFF, v12  }
0x9b: {  	v15 =	vand.u32 $0x7FFFFFFF, v13;
	v5 =	vadd.f32 v8, v7;
	v8 =	vadd.f32 v16, v22  }
0x9c: {  	s12 =	sadd.s32 $0x200, s12;
	v17 =	vsub.f32 $0.0e+00, v20;
	v16 =	vsub.f32 $0.0e+00, v19;
	v7 =	vand.u32 $0x7FFFFFFF, v9  }
0x9d: {  	_ = 	snop  }
0x9e: {  	v18 =	vand.u32 $0x7FFFFFFF, v10;
	v4 =	vsub.f32 $0.0e+00, v4;
	v17 =	vmul.f32 $1.442695020e+00, v17  }
0x9f: {  	v6 =	vsub.f32 $0.0e+00, v6;
	v15 =	vsub.f32 $0.0e+00, v15;
	v16 =	vmul.f32 $1.442695020e+00, v16  }
0xa0: {  	v52 =	vld [tilespmem:s11+$0x8070];
	v7 =	vsub.f32 $0.0e+00, v7;
	v4 =	vmul.f32 $1.442695020e+00, v4;
	(erf) = vpow2.f32 v17  }
0xa1: {  	v54 =	vld [tilespmem:s11+$0x8050];
	v19 =	vand.u32 $0x7FFFFFFF, v14;
	v6 =	vmul.f32 $1.442695020e+00, v6;
	(erf) = vpow2.f32 v16  }
0xa2: {  	v56 =	vld [tilespmem:s11+$0x8040];
	v53 =	vsub.f32 $0.0e+00, v18;
	v15 =	vmul.f32 $1.442695020e+00, v15;
	(erf) = vpow2.f32 v4  }
0xa3: {  	v58 =	vld [tilespmem:s11+$0x8030];
	v55 =	vsub.f32 $0.0e+00, v19;
	v7 =	vmul.f32 $1.442695020e+00, v7;
	(erf) = vpow2.f32 v6  }
0xa4: {  	v60 =	vld [tilespmem:s11+$0x8020];
	v57 =	vmul.f32 $1.442695020e+00, v53;
	(erf) = vpow2.f32 v15  }
0xa5: {  	v61 =	vld [tilespmem:s11+$0x8010];
	v59 =	vmul.f32 $1.442695020e+00, v55;
	(erf) = vpow2.f32 v7  }
0xa6: {  	v5 =	vadd.f32 v8, v5;
	v2 =	vadd.f32 v3, v2;
	v26 =	vld [tilespmem:s11+$0x8000];
	(erf) = vpow2.f32 v57  }
0xa7: {  	v27 =	vmax.f32 v12, $0.0e+00;
	v28 =	vmax.f32 v11, $0.0e+00;
	(erf) = vpow2.f32 v59  }
0xa8: {  	v30 =	vmax.f32 v13, $0.0e+00;
	v33 =	vmax.f32 v10, $0.0e+00;
	v63 =	vmul.f32 v52, v0  }
0xa9: {  	v34 =	vmax.f32 v9, $0.0e+00;
	v29 =	vmul.f32 v54, v11;
	v8 =	vmul.f32 v58, v13;
	v32 =	vpop (erf)  }
0xaa: {  	v20 =	vmax.f32 v14, $0.0e+00;
	v31 =	vmul.f32 v56, v12;
	v35 =	vmul.f32 v60, v9;
	v36 =	vpop (erf)  }
0xab: {  	v62 =	vadd.f32 v2, v5;
	v37 =	vmul.f32 v61, v10;
	v40 =	vmul.f32 v26, v14;
	v39 =	vpop (erf)  }
0xac: {  	v38 =	vsub.f32 v28, v29;
	v8 =	vsub.f32 v30, v8;
	v44 =	vmul.f32 $1.048367280e-02, v32;
	v42 =	vpop (erf)  }
0xad: {  	v41 =	vsub.f32 v27, v31;
	v9 =	vsub.f32 v34, v35;
	v43 =	vmul.f32 $1.048367280e-02, v36;
	v45 =	vpop (erf)  }
0xae: {  	v10 =	vsub.f32 v33, v37;
	v47 =	vmul.f32 $1.048367280e-02, v39;
	v16 =	vadd.f32 $-5.410711470e-02, v44;
	v48 =	vpop (erf)  }
0xaf: {  	v14 =	vsub.f32 v20, v40;
	v46 =	vmul.f32 $1.048367280e-02, v42;
	v15 =	vadd.f32 $-5.410711470e-02, v43;
	v22 =	vpop (erf)  }
0xb0: {  	v21 =	vmul.f32 $1.048367280e-02, v45;
	v18 =	vadd.f32 $-5.410711470e-02, v47;
	v16 =	vmul.f32 v16, v32;
	v24 =	vpop (erf)  }
0xb1: {  	v49 =	vmul.f32 $1.048367280e-02, v48;
	v13 =	vadd.f32 $-5.410711470e-02, v46;
	v25 =	vmul.f32 $1.048367280e-02, v24  }
0xb2: {  	v15 =	vmul.f32 v15, v36;
	v23 =	vmul.f32 $1.048367280e-02, v22;
	v21 =	vadd.f32 $-5.410711470e-02, v21  }
0xb3: {  	v18 =	vmul.f32 v18, v39;
	v16 =	vadd.f32 $1.331444680e-01, v16;
	v25 =	vadd.f32 $-5.410711470e-02, v25  }
0xb4: {  	v20 =	vadd.f32 $-5.410711470e-02, v49;
	v13 =	vmul.f32 v13, v42;
	v15 =	vadd.f32 $1.331444680e-01, v15  }
0xb5: {  	v23 =	vadd.f32 $-5.410711470e-02, v23;
	v21 =	vmul.f32 v21, v45;
	v25 =	vmul.f32 v25, v24  }
0xb6: {  	v18 =	vadd.f32 $1.331444680e-01, v18;
	v16 =	vmul.f32 v16, v32;
	v20 =	vmul.f32 v20, v48  }
0xb7: {  	v13 =	vadd.f32 $1.331444680e-01, v13;
	v23 =	vmul.f32 v23, v22;
	v25 =	vadd.f32 $1.331444680e-01, v25  }
0xb8: {  	v15 =	vmul.f32 v15, v36;
	v21 =	vadd.f32 $1.331444680e-01, v21;
	v18 =	vmul.f32 v18, v39  }
0xb9: {  	v16 =	vadd.f32 $-2.247545270e-01, v16;
	v23 =	vadd.f32 $1.331444680e-01, v23;
	v25 =	vmul.f32 v25, v24  }
0xba: {  	v20 =	vadd.f32 $1.331444680e-01, v20;
	v13 =	vmul.f32 v13, v42;
	v15 =	vadd.f32 $-2.247545270e-01, v15  }
0xbb: {  	v21 =	vmul.f32 v21, v45;
	v23 =	vmul.f32 v23, v22;
	v25 =	vadd.f32 $-2.247545270e-01, v25  }
0xbc: {  	v18 =	vadd.f32 $-2.247545270e-01, v18;
	v16 =	vmul.f32 v16, v32;
	v20 =	vmul.f32 v20, v48  }
0xbd: {  	v13 =	vadd.f32 $-2.247545270e-01, v13;
	v23 =	vadd.f32 $-2.247545270e-01, v23;
	v25 =	vmul.f32 v25, v24  }
0xbe: {  	v15 =	vmul.f32 v15, v36;
	v21 =	vadd.f32 $-2.247545270e-01, v21;
	v20 =	vadd.f32 $-2.247545270e-01, v20  }
0xbf: {  	v18 =	vmul.f32 v18, v39;
	v23 =	vmul.f32 v23, v22;
	v25 =	vadd.f32 $3.277874890e-01, v25  }
0xc0: {  	v16 =	vadd.f32 $3.277874890e-01, v16;
	v13 =	vmul.f32 v13, v42;
	v20 =	vmul.f32 v20, v48  }
0xc1: {  	v15 =	vadd.f32 $3.277874890e-01, v15;
	v23 =	vadd.f32 $3.277874890e-01, v23;
	v25 =	vmul.f32 v25, v24  }
0xc2: {  	v21 =	vmul.f32 v21, v45;
	v18 =	vadd.f32 $3.277874890e-01, v18;
	v20 =	vadd.f32 $3.277874890e-01, v20  }
0xc3: {  	v16 =	vmul.f32 v16, v32;
	v23 =	vmul.f32 v23, v22;
	v25 =	vadd.f32 $-4.993799330e-01, v25  }
0xc4: {  	v13 =	vadd.f32 $3.277874890e-01, v13;
	v21 =	vadd.f32 $3.277874890e-01, v21;
	v20 =	vmul.f32 v20, v48  }
0xc5: {  	v15 =	vmul.f32 v15, v36;
	v23 =	vadd.f32 $-4.993799330e-01, v23;
	v25 =	vmul.f32 v25, v24  }
0xc6: {  	v18 =	vmul.f32 v18, v39;
	v21 =	vmul.f32 v21, v45;
	v20 =	vadd.f32 $-4.993799330e-01, v20  }
0xc7: {  	v16 =	vadd.f32 $-4.993799330e-01, v16;
	v23 =	vmul.f32 v23, v22;
	v25 =	vadd.f32 $9.999731180e-01, v25  }
0xc8: {  	v13 =	vmul.f32 v13, v42;
	v21 =	vadd.f32 $-4.993799330e-01, v21;
	v20 =	vmul.f32 v20, v48  }
0xc9: {  	v15 =	vadd.f32 $-4.993799330e-01, v15;
	v23 =	vadd.f32 $9.999731180e-01, v23;
	v24 =	vmul.f32 v25, v24  }
0xca: {  	v13 =	vadd.f32 $-4.993799330e-01, v13;
	v21 =	vmul.f32 v21, v45;
	v20 =	vadd.f32 $9.999731180e-01, v20  }
0xcb: {  	v18 =	vadd.f32 $-4.993799330e-01, v18;
	v22 =	vmul.f32 v23, v22;
	v24 =	vadd.f32 $1.921637250e-07, v24  }
0xcc: {  	v52 =	vld [tilespmem:s11+$0x8060];
	v13 =	vmul.f32 v13, v42;
	v50 =	vadd.f32 $9.999731180e-01, v21;
	v19 =	vmul.f32 v20, v48  }
0xcd: {  	v18 =	vmul.f32 v18, v39;
	v51 =	vadd.f32 $1.921637250e-07, v22;
	v14 =	vadd.f32 v24, v14  }
0xce: {  	v13 =	vadd.f32 $9.999731180e-01, v13;
	v17 =	vmul.f32 v50, v45;
	v19 =	vadd.f32 $1.921637250e-07, v19  }
0xcf: {  	v53 =	vmul.f32 v15, v36;
	v10 =	vadd.f32 v51, v10;
	v6 =	vadd.f32 v14, v62  }
0xd0: {  	v55 =	vadd.f32 $9.999731180e-01, v18;
	v12 =	vmul.f32 v13, v42;
	v54 =	vadd.f32 $1.921637250e-07, v17  }
0xd1: {  	v58 =	vmul.f32 v52, v1;
	v9 =	vadd.f32 v19, v9;
	v6 =	vadd.f32 v10, v6  }
0xd2: {  	v57 =	vadd.f32 $9.999731180e-01, v53;
	v11 =	vmul.f32 v55, v39;
	v12 =	vadd.f32 $1.921637250e-07, v12  }
0xd3: {  	v56 =	vmul.f32 v16, v32;
	v8 =	vadd.f32 v54, v8;
	v6 =	vadd.f32 v9, v6  }
0xd4: {  	v5 =	vmul.f32 v57, v36;
	v59 =	vadd.f32 $1.921637250e-07, v11;
	v7 =	vadd.f32 v12, v41  }
0xd5: {  	v60 =	vmax.f32 v1, $0.0e+00;
	v10 =	vadd.f32 $9.999731180e-01, v56;
	v6 =	vadd.f32 v8, v6  }
0xd6: {  	v61 =	vmax.f32 v0, $0.0e+00;
	v1 =	vsub.f32 v60, v58;
	v5 =	vadd.f32 $1.921637250e-07, v5  }
0xd7: {  	v4 =	vadd.f32 v59, v38;
	v3 =	vmul.f32 v10, v32;
	v6 =	vadd.f32 v7, v6  }
0xd8: {  	v0 =	vsub.f32 v61, v63;
	v1 =	vadd.f32 v5, v1  }
0xd9: {  	v62 =	vadd.f32 $1.921637250e-07, v3;
	v63 =	vadd.f32 v4, v6;
	_ =	sdelay $0x1  }
0xda: {  	v0 =	vadd.f32 v62, v0;
	v1 =	vadd.f32 v1, v63;
	_ =	sdelay $0x1  }
0xdb: {  	s10 =	sadd.s32 $0x1, s10;
	v0 =	vadd.f32 v0, v1  }
0xdc: {  	p0 =	sne.s32 s10, s6  }
.Ltmp1:
0xdd: {  	[tilespmem:$0x10000] =	vst v0;
	(pc) =	sbr.rel @p0 .LBB2_1-.Ltmp1, $4  }
0xde: {  	[hbm4b:s5+s2] =	stream.linear.scatter [tilespmem:s9], [sflag:$0x1], $0x80, $0x38;
	[tilespmem:$0x10080] =	vst v63  }
0xdf: {  	_ =	swait.ge [sflag:s7], $0x80  }
0xe0: {  	[sflag:s7] =	ssyncset.done $0x0  }
0xe1: {  	[sflag:s7] =	ssyncadd.s32 $0xFFFFFF80  }
0xe2: {  	_ =	sfence.sel $0x180000  }
0xe3: {  	[bflag:$0x0] =	sbarrier.arrive $0xFFFF  }
0xe4: {  	p0 =	sne.s32 s1, $0x0;
	_ =	strace $0x90000047  }
0xe5: {  	s0 =	sadd.s32 @!p0 $0x100000, s0;
	[bflag:$0x2] =	sbarrier.arrive $0xFFFF  }
0xe6: {  	[sflag:s0] =	ssyncadd.tile.s32 @!p0 $0x1;
	_ =	shalt  }
.Lfunc_end2:
_tile_overlayer_lowered:
.L_overlay_start_2:
0xe7: {  	(tag) =	ssettag $0x2  }
0xe8: {  	s0 =	rddreg [dreg:$0x0];
	s2 =	stileid.u32  }
0xe9: {  	s1 =	rddreg [dreg:$0x1];
	p0 =	sne.s32 s2, $0x0  }
0xea: {  	s3 =	rddreg [dreg:$0x2];
	[bflag:$0x3] =	sbarrier.arrive $0xFFFF;
	s2 =	simm.s32 @!p0 $0x1C01  }
0xeb: {  	[timem:s3], [sflag:s2] =	dma.local @!p0 [hbm:s0], s1  }
0xec: {  	s0 =	simm.s32 @!p0 $0x1  }
0xed: {  	_ =	swait.ge @!p0 [sflag:s0], s1  }
0xee: {  	s1 =	ssub.s32 @!p0 $0x0, s1;
	[sflag:s0] =	ssyncset.done @!p0 $0x0  }
0xef: {  	[sflag:s0] =	ssyncadd.s32 @!p0 s1  }
0xf0: {  	[bflag:$0x3] =	sbarrier.arrive $0xFFFF  }
0xf1: {  	_ =	shalt  }

</sc_bundles>
